<compile_context>
chip_gen: v7x
topology: tpu7x:2x2x1
jax: 0.10.2.dev20260603
libtpu: 0.0.44.dev20260713+nightly
codegen_flags: <defaults>
</compile_context>

<pallas_src>
import functools

import jax
import jax.numpy as jnp
from jax import lax
from jax.experimental import pallas as pl
from jax.experimental.pallas import tpu as pltpu
from jax.experimental.pallas import tpu_sc as plsc

NC = 2
NS = 16
NW = NC * NS
L = 16


@functools.partial(jax.jit, static_argnums=(4, 5))
def _run_items(pi2, ni2, gamma_items, beta1d, dim, bpw):
    nch = pi2.shape[0] // NW
    chb = pi2.shape[1]
    ng = bpw // L
    mesh = plsc.VectorSubcoreMesh(
        core_axis_name="c", subcore_axis_name="s",
        num_cores=NC, num_subcores=NS)

    @functools.partial(
        pl.kernel,
        out_type=(
            jax.ShapeDtypeStruct((NW * bpw, dim), jnp.float32),
            jax.ShapeDtypeStruct((NW * bpw,), jnp.float32),
        ),
        mesh=mesh,
        scratch_types=[
            pltpu.VMEM((nch, chb), jnp.int32),
            pltpu.VMEM((nch, chb), jnp.int32),
            pltpu.VMEM((bpw, dim), jnp.float32),
            pltpu.VMEM((bpw, dim), jnp.float32),
            pltpu.VMEM((bpw, dim), jnp.float32),
            pltpu.VMEM((bpw,), jnp.float32),
            pltpu.VMEM((bpw,), jnp.float32),
            pltpu.VMEM((bpw,), jnp.float32),
            pltpu.SemaphoreType.DMA,
        ],
        compiler_params=pltpu.CompilerParams(
            needs_layout_passes=False, use_tc_tiling_on_sc=False),
    )
    def k(pi_hbm, ni_hbm, gi_hbm, bb_hbm, dd_hbm, bd_hbm,
          pi_v, ni_v, prows, nrows, drows, pb_v, nb_v, bd_v, sem):
        wid = lax.axis_index("s") * NC + lax.axis_index("c")
        base = wid * bpw

        pltpu.sync_copy(pi_hbm.at[pl.ds(wid * nch, nch)], pi_v)
        pltpu.sync_copy(ni_hbm.at[pl.ds(wid * nch, nch)], ni_v)

        cps = []
        for j in range(nch):
            rows = pl.ds(j * chb, chb)
            cps.append(pltpu.async_copy(
                gi_hbm.at[pi_v.at[j]], prows.at[rows], sem))
            cps.append(pltpu.async_copy(
                gi_hbm.at[ni_v.at[j]], nrows.at[rows], sem))
            cps.append(pltpu.async_copy(
                bb_hbm.at[pi_v.at[j]], pb_v.at[rows], sem))
            cps.append(pltpu.async_copy(
                bb_hbm.at[ni_v.at[j]], nb_v.at[rows], sem))
        for c in cps:
            c.wait()

        lanes = lax.iota(jnp.int32, L)

        def group(g, carry):
            idx0 = g * L + lanes
            sl = pl.ds(g * L, L)
            bd_v[sl] = pb_v[sl] - nb_v[sl]
            for d in range(dim):
                idxd = jnp.full((L,), d, jnp.int32)
                p = plsc.load_gather(prows, [idx0, idxd])
                n = plsc.load_gather(nrows, [idx0, idxd])
                plsc.store_scatter(drows, [idx0, idxd], p - n)
            return carry

        lax.fori_loop(0, ng, group, 0)
        pltpu.sync_copy(drows, dd_hbm.at[pl.ds(base, bpw)])
        pltpu.sync_copy(bd_v, bd_hbm.at[pl.ds(base, bpw)])

    return k(pi2, ni2, gamma_items, beta1d)


@functools.partial(jax.jit, static_argnums=(4, 5))
def _run_users(ui2, gamma_users, dd, bd, dim, bpw):
    nch = ui2.shape[0] // NW
    chb = ui2.shape[1]
    ng = bpw // L
    mesh = plsc.VectorSubcoreMesh(
        core_axis_name="c", subcore_axis_name="s",
        num_cores=NC, num_subcores=NS)

    @functools.partial(
        pl.kernel,
        out_type=jax.ShapeDtypeStruct((NW * bpw,), jnp.float32),
        mesh=mesh,
        scratch_types=[
            pltpu.VMEM((nch, chb), jnp.int32),
            pltpu.VMEM((bpw, dim), jnp.float32),
            pltpu.VMEM((bpw, dim), jnp.float32),
            pltpu.VMEM((bpw,), jnp.float32),
            pltpu.VMEM((bpw,), jnp.float32),
            pltpu.SemaphoreType.DMA,
        ],
        compiler_params=pltpu.CompilerParams(
            needs_layout_passes=False, use_tc_tiling_on_sc=False),
    )
    def k(ui_hbm, gu_hbm, dd_hbm, bd_hbm, out_hbm,
          ui_v, urows, ddv, bd_v, out_v, sem):
        wid = lax.axis_index("s") * NC + lax.axis_index("c")
        base = wid * bpw

        pltpu.sync_copy(ui_hbm.at[pl.ds(wid * nch, nch)], ui_v)
        pltpu.sync_copy(dd_hbm.at[pl.ds(base, bpw)], ddv)
        pltpu.sync_copy(bd_hbm.at[pl.ds(base, bpw)], bd_v)

        cps = []
        for j in range(nch):
            rows = pl.ds(j * chb, chb)
            cps.append(pltpu.async_copy(
                gu_hbm.at[ui_v.at[j]], urows.at[rows], sem))
        for c in cps:
            c.wait()

        lanes = lax.iota(jnp.int32, L)
        zf = jnp.zeros((L,), jnp.float32)

        def group(g, carry):
            idx0 = g * L + lanes
            sl = pl.ds(g * L, L)
            accs = [zf, zf, zf, zf]
            for d in range(dim):
                idxd = jnp.full((L,), d, jnp.int32)
                u = plsc.load_gather(urows, [idx0, idxd])
                dv = plsc.load_gather(ddv, [idx0, idxd])
                accs[d % 4] = accs[d % 4] + u * dv
            out_v[sl] = (accs[0] + accs[1]) + (accs[2] + accs[3]) \
                + bd_v[sl]
            return carry

        lax.fori_loop(0, ng, group, 0)
        pltpu.sync_copy(out_v, out_hbm.at[pl.ds(base, bpw)])

    return k(ui2, gamma_users, dd, bd)


def kernel(ui, pi, ni, gamma_users, gamma_items, beta_items):
    b = ui.shape[0]
    dim = gamma_users.shape[1]
    bpw = b // NW
    chb = min(128, bpw)
    nch = bpw // chb
    ui2 = ui.astype(jnp.int32).reshape(NW * nch, chb)
    pi2 = pi.astype(jnp.int32).reshape(NW * nch, chb)
    ni2 = ni.astype(jnp.int32).reshape(NW * nch, chb)
    beta1d = beta_items.reshape(-1)
    dd, bd = _run_items(pi2, ni2, gamma_items, beta1d, dim, bpw)
    out = _run_users(ui2, gamma_users, dd, bd, dim, bpw)
    return out.reshape(b, 1, 1)

# --- scband reference (transcript-rebuilt; emitter-appended) ---
"""Pipeline reference for scband-biased-mf-38362647888601 (READ-ONLY COPY).

The authoritative reference and input builder live on the scoring server;
editing this copy changes nothing except your own understanding.
"""

import jax, jax.numpy as jnp
import numpy as np

N_USERS = 1000000
N_ITEMS = 1000000
DIM = 64
B = 16384

def _xavier_uniform(key, shape):
    fan_in, fan_out = shape[1], shape[0]
    # torch xavier_uniform on [num_emb, dim]: fan_in=dim, fan_out=num_emb per torch semantics
    fan_in_t, fan_out_t = shape[0], shape[1]
    a = float(np.sqrt(6.0 / (fan_in_t + fan_out_t)))
    return jax.random.uniform(key, shape, minval=-a, maxval=a, dtype=jnp.float32)

def setup_inputs(seed: int = 0) -> dict:
    key = jax.random.key(seed)
    k1, k2, k3, k4, k5, k6 = jax.random.split(key, 6)
    ui = jax.random.randint(k1, (B,), 0, N_USERS, dtype=jnp.int64) if jax.config.jax_enable_x64 else jax.random.randint(k1, (B,), 0, N_USERS).astype(jnp.int32)
    pi = jax.random.randint(k2, (B,), 0, N_ITEMS).astype(ui.dtype)
    ni = jax.random.randint(k3, (B,), 0, N_ITEMS).astype(ui.dtype)
    gamma_users = _xavier_uniform(k4, (N_USERS, DIM))
    gamma_items = _xavier_uniform(k5, (N_ITEMS, DIM))
    beta_items = _xavier_uniform(k6, (N_ITEMS, 1))
    return {"ui": ui, "pi": pi, "ni": ni, "gamma_users": gamma_users, "gamma_items": gamma_items, "beta_items": beta_items}

def reference(ui, pi, ni, gamma_users, gamma_items, beta_items):
    ui_latent = jnp.take(gamma_users, ui, axis=0)
    pi_bias = jnp.take(beta_items, pi, axis=0)
    ni_bias = jnp.take(beta_items, ni, axis=0)
    pi_latent = jnp.take(gamma_items, pi, axis=0)
    ni_latent = jnp.take(gamma_items, ni, axis=0)
    diff = pi_latent - ni_latent
    x_uij = jnp.sum(ui_latent * diff, axis=1)[:, None] + pi_bias - ni_bias
    return x_uij[:, :, None]

if __name__ == "__main__":
    import jax
    _d = setup_inputs()
    print(jax.jit(kernel)(*tuple(_d.values())))

</pallas_src>

<mosaic_0001>
#map = affine_map<(d0, d1) -> (0, 0)>
#map1 = affine_map<(d0, d1) -> (0)>
module attributes {stable_mosaic.version = 14 : i64} {
  func.func @k(%arg0: i32, %arg1: i32, %arg2: memref<128x128xi32, #tpu.memory_space<hbm>>, %arg3: memref<128x128xi32, #tpu.memory_space<hbm>>, %arg4: memref<1000000x64xf32, #tpu.memory_space<hbm>>, %arg5: memref<1000000xf32, #tpu.memory_space<hbm>>, %arg6: memref<16384x64xf32, #tpu.memory_space<hbm>>, %arg7: memref<16384xf32, #tpu.memory_space<hbm>>, %arg8: memref<4x128xi32, #tpu.memory_space<vmem>>, %arg9: memref<4x128xi32, #tpu.memory_space<vmem>>, %arg10: memref<512x64xf32, #tpu.memory_space<vmem>>, %arg11: memref<512x64xf32, #tpu.memory_space<vmem>>, %arg12: memref<512x64xf32, #tpu.memory_space<vmem>>, %arg13: memref<512xf32, #tpu.memory_space<vmem>>, %arg14: memref<512xf32, #tpu.memory_space<vmem>>, %arg15: memref<512xf32, #tpu.memory_space<vmem>>, %arg16: memref<!tpu.dma_semaphore, #tpu.memory_space<semaphore_mem>>) attributes {dimension_semantics = [#tpu.dimension_semantics<core_parallel>, #tpu.dimension_semantics<subcore_parallel>], iteration_bounds = array<i64: 2, 16>, scalar_prefetch = 0 : i64, scratch_operands = 9 : i64, tpu.core_type = #tpu.core_type<sc_vector_subcore>, window_params = [{transform_indices = #map}, {transform_indices = #map}, {transform_indices = #map}, {transform_indices = #map1}, {transform_indices = #map}, {transform_indices = #map1}]} {
    %mul3A = arith.constant 2 : i32
    %mul3A_0 = arith.muli %arg1, %mul3A : i32
    %add3A = arith.addi %mul3A_0, %arg0 : i32
    %mul3A_1 = arith.constant 512 : i32
    %mul3A_2 = arith.muli %add3A, %mul3A_1 : i32
    %mul3A_3 = arith.constant 4 : i32
    %mul3A_4 = arith.muli %add3A, %mul3A_3 : i32
    "tpu.region"() ({
      %run_scoped3A = tpu.sem_alloc : memref<!tpu.dma_semaphore, #tpu.memory_space<semaphore_mem>>
      %dma_start3A_298 = arith.constant 0 : i32
      %dma_start3A_299 = tpu.memref_slice %arg2[%mul3A_4, %dma_start3A_298] : memref<128x128xi32, #tpu.memory_space<hbm>> -> memref<4x128xi32, #tpu.memory_space<hbm>>
      %dma_start3A_300 = arith.constant 0 : i32
      %dma_start3A_301 = tpu.memref_slice %arg2[%mul3A_4, %dma_start3A_300] : memref<128x128xi32, #tpu.memory_space<hbm>> -> memref<4x128xi32, #tpu.memory_space<hbm>>
      tpu.enqueue_dma source(%dma_start3A_301 : memref<4x128xi32, #tpu.memory_space<hbm>>) target(%arg8 : memref<4x128xi32, #tpu.memory_space<vmem>>) target_semaphore(%run_scoped3A : memref<!tpu.dma_semaphore, #tpu.memory_space<semaphore_mem>>)
      %dma_wait3A_302 = arith.constant 0 : i32
      %dma_wait3A_303 = tpu.memref_slice %arg2[%mul3A_4, %dma_wait3A_302] : memref<128x128xi32, #tpu.memory_space<hbm>> -> memref<4x128xi32, #tpu.memory_space<hbm>>
      %dma_wait3A_304 = arith.constant 0 : i32
      %dma_wait3A_305 = tpu.memref_slice %arg2[%mul3A_4, %dma_wait3A_304] : memref<128x128xi32, #tpu.memory_space<hbm>> -> memref<4x128xi32, #tpu.memory_space<hbm>>
      tpu.wait_dma2 semaphore(%run_scoped3A : memref<!tpu.dma_semaphore, #tpu.memory_space<semaphore_mem>>) src(%dma_wait3A_305 : memref<4x128xi32, #tpu.memory_space<hbm>>) dst(%arg8 : memref<4x128xi32, #tpu.memory_space<vmem>>)
      tpu.yield
    }) : () -> ()
    %mul3A_5 = arith.constant 4 : i32
    %mul3A_6 = arith.muli %add3A, %mul3A_5 : i32
    "tpu.region"() ({
      %run_scoped3A = tpu.sem_alloc : memref<!tpu.dma_semaphore, #tpu.memory_space<semaphore_mem>>
      %dma_start3A_298 = arith.constant 0 : i32
      %dma_start3A_299 = tpu.memref_slice %arg3[%mul3A_6, %dma_start3A_298] : memref<128x128xi32, #tpu.memory_space<hbm>> -> memref<4x128xi32, #tpu.memory_space<hbm>>
      %dma_start3A_300 = arith.constant 0 : i32
      %dma_start3A_301 = tpu.memref_slice %arg3[%mul3A_6, %dma_start3A_300] : memref<128x128xi32, #tpu.memory_space<hbm>> -> memref<4x128xi32, #tpu.memory_space<hbm>>
      tpu.enqueue_dma source(%dma_start3A_301 : memref<4x128xi32, #tpu.memory_space<hbm>>) target(%arg9 : memref<4x128xi32, #tpu.memory_space<vmem>>) target_semaphore(%run_scoped3A : memref<!tpu.dma_semaphore, #tpu.memory_space<semaphore_mem>>)
      %dma_wait3A_302 = arith.constant 0 : i32
      %dma_wait3A_303 = tpu.memref_slice %arg3[%mul3A_6, %dma_wait3A_302] : memref<128x128xi32, #tpu.memory_space<hbm>> -> memref<4x128xi32, #tpu.memory_space<hbm>>
      %dma_wait3A_304 = arith.constant 0 : i32
      %dma_wait3A_305 = tpu.memref_slice %arg3[%mul3A_6, %dma_wait3A_304] : memref<128x128xi32, #tpu.memory_space<hbm>> -> memref<4x128xi32, #tpu.memory_space<hbm>>
      tpu.wait_dma2 semaphore(%run_scoped3A : memref<!tpu.dma_semaphore, #tpu.memory_space<semaphore_mem>>) src(%dma_wait3A_305 : memref<4x128xi32, #tpu.memory_space<hbm>>) dst(%arg9 : memref<4x128xi32, #tpu.memory_space<vmem>>)
      tpu.yield
    }) : () -> ()
    %dma_start3A = arith.constant 0 : i32
    %dma_start3A_7 = arith.constant 0 : i32
    %dma_start3A_8 = arith.constant 0 : i32
    %dma_start3A_9 = tpu.memref_slice %arg10[%dma_start3A_7, %dma_start3A_8] : memref<512x64xf32, #tpu.memory_space<vmem>> -> memref<128x64xf32, #tpu.memory_space<vmem>>
    %dma_start3A_10 = arith.constant 0 : i32
    %dma_start3A_11 = tpu.memref_slice %arg8[%dma_start3A, %dma_start3A_10] : memref<4x128xi32, #tpu.memory_space<vmem>> -> memref<1x128xi32, #tpu.memory_space<vmem>>
    %dma_start3A_12 = tpu.memref_squeeze %dma_start3A_11 : memref<1x128xi32, #tpu.memory_space<vmem>> -> memref<128xi32, #tpu.memory_space<vmem>>
    %dma_start3A_13 = arith.constant 0 : i32
    %dma_start3A_14 = arith.constant 0 : i32
    %dma_start3A_15 = tpu.memref_slice %arg4[%dma_start3A_13, %dma_start3A_14] : memref<1000000x64xf32, #tpu.memory_space<hbm>> -> memref<1000000x64xf32, #tpu.memory_space<hbm>>
    tpu.enqueue_indirect_dma source(%dma_start3A_15 : memref<1000000x64xf32, #tpu.memory_space<hbm>>) target(%dma_start3A_9 : memref<128x64xf32, #tpu.memory_space<vmem>>) offsets(%dma_start3A_12 : memref<128xi32, #tpu.memory_space<vmem>>) semaphore(%arg16 : memref<!tpu.dma_semaphore, #tpu.memory_space<semaphore_mem>>)
    %dma_start3A_16 = arith.constant 0 : i32
    %dma_start3A_17 = arith.constant 0 : i32
    %dma_start3A_18 = arith.constant 0 : i32
    %dma_start3A_19 = tpu.memref_slice %arg11[%dma_start3A_17, %dma_start3A_18] : memref<512x64xf32, #tpu.memory_space<vmem>> -> memref<128x64xf32, #tpu.memory_space<vmem>>
    %dma_start3A_20 = arith.constant 0 : i32
    %dma_start3A_21 = tpu.memref_slice %arg9[%dma_start3A_16, %dma_start3A_20] : memref<4x128xi32, #tpu.memory_space<vmem>> -> memref<1x128xi32, #tpu.memory_space<vmem>>
    %dma_start3A_22 = tpu.memref_squeeze %dma_start3A_21 : memref<1x128xi32, #tpu.memory_space<vmem>> -> memref<128xi32, #tpu.memory_space<vmem>>
    %dma_start3A_23 = arith.constant 0 : i32
    %dma_start3A_24 = arith.constant 0 : i32
    %dma_start3A_25 = tpu.memref_slice %arg4[%dma_start3A_23, %dma_start3A_24] : memref<1000000x64xf32, #tpu.memory_space<hbm>> -> memref<1000000x64xf32, #tpu.memory_space<hbm>>
    tpu.enqueue_indirect_dma source(%dma_start3A_25 : memref<1000000x64xf32, #tpu.memory_space<hbm>>) target(%dma_start3A_19 : memref<128x64xf32, #tpu.memory_space<vmem>>) offsets(%dma_start3A_22 : memref<128xi32, #tpu.memory_space<vmem>>) semaphore(%arg16 : memref<!tpu.dma_semaphore, #tpu.memory_space<semaphore_mem>>)
    %dma_start3A_26 = arith.constant 0 : i32
    %dma_start3A_27 = arith.constant 0 : i32
    %dma_start3A_28 = tpu.memref_slice %arg13[%dma_start3A_27] : memref<512xf32, #tpu.memory_space<vmem>> -> memref<128xf32, #tpu.memory_space<vmem>>
    %dma_start3A_29 = arith.constant 0 : i32
    %dma_start3A_30 = tpu.memref_slice %arg8[%dma_start3A_26, %dma_start3A_29] : memref<4x128xi32, #tpu.memory_space<vmem>> -> memref<1x128xi32, #tpu.memory_space<vmem>>
    %dma_start3A_31 = tpu.memref_squeeze %dma_start3A_30 : memref<1x128xi32, #tpu.memory_space<vmem>> -> memref<128xi32, #tpu.memory_space<vmem>>
    %dma_start3A_32 = arith.constant 0 : i32
    %dma_start3A_33 = tpu.memref_slice %arg5[%dma_start3A_32] : memref<1000000xf32, #tpu.memory_space<hbm>> -> memref<1000000xf32, #tpu.memory_space<hbm>>
    tpu.enqueue_indirect_dma source(%dma_start3A_33 : memref<1000000xf32, #tpu.memory_space<hbm>>) target(%dma_start3A_28 : memref<128xf32, #tpu.memory_space<vmem>>) offsets(%dma_start3A_31 : memref<128xi32, #tpu.memory_space<vmem>>) semaphore(%arg16 : memref<!tpu.dma_semaphore, #tpu.memory_space<semaphore_mem>>)
    %dma_start3A_34 = arith.constant 0 : i32
    %dma_start3A_35 = arith.constant 0 : i32
    %dma_start3A_36 = tpu.memref_slice %arg14[%dma_start3A_35] : memref<512xf32, #tpu.memory_space<vmem>> -> memref<128xf32, #tpu.memory_space<vmem>>
    %dma_start3A_37 = arith.constant 0 : i32
    %dma_start3A_38 = tpu.memref_slice %arg9[%dma_start3A_34, %dma_start3A_37] : memref<4x128xi32, #tpu.memory_space<vmem>> -> memref<1x128xi32, #tpu.memory_space<vmem>>
    %dma_start3A_39 = tpu.memref_squeeze %dma_start3A_38 : memref<1x128xi32, #tpu.memory_space<vmem>> -> memref<128xi32, #tpu.memory_space<vmem>>
    %dma_start3A_40 = arith.constant 0 : i32
    %dma_start3A_41 = tpu.memref_slice %arg5[%dma_start3A_40] : memref<1000000xf32, #tpu.memory_space<hbm>> -> memref<1000000xf32, #tpu.memory_space<hbm>>
    tpu.enqueue_indirect_dma source(%dma_start3A_41 : memref<1000000xf32, #tpu.memory_space<hbm>>) target(%dma_start3A_36 : memref<128xf32, #tpu.memory_space<vmem>>) offsets(%dma_start3A_39 : memref<128xi32, #tpu.memory_space<vmem>>) semaphore(%arg16 : memref<!tpu.dma_semaphore, #tpu.memory_space<semaphore_mem>>)
    %dma_start3A_42 = arith.constant 1 : i32
    %dma_start3A_43 = arith.constant 128 : i32
    %dma_start3A_44 = arith.constant 0 : i32
    %dma_start3A_45 = tpu.memref_slice %arg10[%dma_start3A_43, %dma_start3A_44] : memref<512x64xf32, #tpu.memory_space<vmem>> -> memref<128x64xf32, #tpu.memory_space<vmem>>
    %dma_start3A_46 = arith.constant 0 : i32
    %dma_start3A_47 = tpu.memref_slice %arg8[%dma_start3A_42, %dma_start3A_46] : memref<4x128xi32, #tpu.memory_space<vmem>> -> memref<1x128xi32, #tpu.memory_space<vmem>>
    %dma_start3A_48 = tpu.memref_squeeze %dma_start3A_47 : memref<1x128xi32, #tpu.memory_space<vmem>> -> memref<128xi32, #tpu.memory_space<vmem>>
    %dma_start3A_49 = arith.constant 0 : i32
    %dma_start3A_50 = arith.constant 0 : i32
    %dma_start3A_51 = tpu.memref_slice %arg4[%dma_start3A_49, %dma_start3A_50] : memref<1000000x64xf32, #tpu.memory_space<hbm>> -> memref<1000000x64xf32, #tpu.memory_space<hbm>>
    tpu.enqueue_indirect_dma source(%dma_start3A_51 : memref<1000000x64xf32, #tpu.memory_space<hbm>>) target(%dma_start3A_45 : memref<128x64xf32, #tpu.memory_space<vmem>>) offsets(%dma_start3A_48 : memref<128xi32, #tpu.memory_space<vmem>>) semaphore(%arg16 : memref<!tpu.dma_semaphore, #tpu.memory_space<semaphore_mem>>)
    %dma_start3A_52 = arith.constant 1 : i32
    %dma_start3A_53 = arith.constant 128 : i32
    %dma_start3A_54 = arith.constant 0 : i32
    %dma_start3A_55 = tpu.memref_slice %arg11[%dma_start3A_53, %dma_start3A_54] : memref<512x64xf32, #tpu.memory_space<vmem>> -> memref<128x64xf32, #tpu.memory_space<vmem>>
    %dma_start3A_56 = arith.constant 0 : i32
    %dma_start3A_57 = tpu.memref_slice %arg9[%dma_start3A_52, %dma_start3A_56] : memref<4x128xi32, #tpu.memory_space<vmem>> -> memref<1x128xi32, #tpu.memory_space<vmem>>
    %dma_start3A_58 = tpu.memref_squeeze %dma_start3A_57 : memref<1x128xi32, #tpu.memory_space<vmem>> -> memref<128xi32, #tpu.memory_space<vmem>>
    %dma_start3A_59 = arith.constant 0 : i32
    %dma_start3A_60 = arith.constant 0 : i32
    %dma_start3A_61 = tpu.memref_slice %arg4[%dma_start3A_59, %dma_start3A_60] : memref<1000000x64xf32, #tpu.memory_space<hbm>> -> memref<1000000x64xf32, #tpu.memory_space<hbm>>
    tpu.enqueue_indirect_dma source(%dma_start3A_61 : memref<1000000x64xf32, #tpu.memory_space<hbm>>) target(%dma_start3A_55 : memref<128x64xf32, #tpu.memory_space<vmem>>) offsets(%dma_start3A_58 : memref<128xi32, #tpu.memory_space<vmem>>) semaphore(%arg16 : memref<!tpu.dma_semaphore, #tpu.memory_space<semaphore_mem>>)
    %dma_start3A_62 = arith.constant 1 : i32
    %dma_start3A_63 = arith.constant 128 : i32
    %dma_start3A_64 = tpu.memref_slice %arg13[%dma_start3A_63] : memref<512xf32, #tpu.memory_space<vmem>> -> memref<128xf32, #tpu.memory_space<vmem>>
    %dma_start3A_65 = arith.constant 0 : i32
    %dma_start3A_66 = tpu.memref_slice %arg8[%dma_start3A_62, %dma_start3A_65] : memref<4x128xi32, #tpu.memory_space<vmem>> -> memref<1x128xi32, #tpu.memory_space<vmem>>
    %dma_start3A_67 = tpu.memref_squeeze %dma_start3A_66 : memref<1x128xi32, #tpu.memory_space<vmem>> -> memref<128xi32, #tpu.memory_space<vmem>>
    %dma_start3A_68 = arith.constant 0 : i32
    %dma_start3A_69 = tpu.memref_slice %arg5[%dma_start3A_68] : memref<1000000xf32, #tpu.memory_space<hbm>> -> memref<1000000xf32, #tpu.memory_space<hbm>>
    tpu.enqueue_indirect_dma source(%dma_start3A_69 : memref<1000000xf32, #tpu.memory_space<hbm>>) target(%dma_start3A_64 : memref<128xf32, #tpu.memory_space<vmem>>) offsets(%dma_start3A_67 : memref<128xi32, #tpu.memory_space<vmem>>) semaphore(%arg16 : memref<!tpu.dma_semaphore, #tpu.memory_space<semaphore_mem>>)
    %dma_start3A_70 = arith.constant 1 : i32
    %dma_start3A_71 = arith.constant 128 : i32
    %dma_start3A_72 = tpu.memref_slice %arg14[%dma_start3A_71] : memref<512xf32, #tpu.memory_space<vmem>> -> memref<128xf32, #tpu.memory_space<vmem>>
    %dma_start3A_73 = arith.constant 0 : i32
    %dma_start3A_74 = tpu.memref_slice %arg9[%dma_start3A_70, %dma_start3A_73] : memref<4x128xi32, #tpu.memory_space<vmem>> -> memref<1x128xi32, #tpu.memory_space<vmem>>
    %dma_start3A_75 = tpu.memref_squeeze %dma_start3A_74 : memref<1x128xi32, #tpu.memory_space<vmem>> -> memref<128xi32, #tpu.memory_space<vmem>>
    %dma_start3A_76 = arith.constant 0 : i32
    %dma_start3A_77 = tpu.memref_slice %arg5[%dma_start3A_76] : memref<1000000xf32, #tpu.memory_space<hbm>> -> memref<1000000xf32, #tpu.memory_space<hbm>>
    tpu.enqueue_indirect_dma source(%dma_start3A_77 : memref<1000000xf32, #tpu.memory_space<hbm>>) target(%dma_start3A_72 : memref<128xf32, #tpu.memory_space<vmem>>) offsets(%dma_start3A_75 : memref<128xi32, #tpu.memory_space<vmem>>) semaphore(%arg16 : memref<!tpu.dma_semaphore, #tpu.memory_space<semaphore_mem>>)
    %dma_start3A_78 = arith.constant 2 : i32
    %dma_start3A_79 = arith.constant 256 : i32
    %dma_start3A_80 = arith.constant 0 : i32
    %dma_start3A_81 = tpu.memref_slice %arg10[%dma_start3A_79, %dma_start3A_80] : memref<512x64xf32, #tpu.memory_space<vmem>> -> memref<128x64xf32, #tpu.memory_space<vmem>>
    %dma_start3A_82 = arith.constant 0 : i32
    %dma_start3A_83 = tpu.memref_slice %arg8[%dma_start3A_78, %dma_start3A_82] : memref<4x128xi32, #tpu.memory_space<vmem>> -> memref<1x128xi32, #tpu.memory_space<vmem>>
    %dma_start3A_84 = tpu.memref_squeeze %dma_start3A_83 : memref<1x128xi32, #tpu.memory_space<vmem>> -> memref<128xi32, #tpu.memory_space<vmem>>
    %dma_start3A_85 = arith.constant 0 : i32
    %dma_start3A_86 = arith.constant 0 : i32
    %dma_start3A_87 = tpu.memref_slice %arg4[%dma_start3A_85, %dma_start3A_86] : memref<1000000x64xf32, #tpu.memory_space<hbm>> -> memref<1000000x64xf32, #tpu.memory_space<hbm>>
    tpu.enqueue_indirect_dma source(%dma_start3A_87 : memref<1000000x64xf32, #tpu.memory_space<hbm>>) target(%dma_start3A_81 : memref<128x64xf32, #tpu.memory_space<vmem>>) offsets(%dma_start3A_84 : memref<128xi32, #tpu.memory_space<vmem>>) semaphore(%arg16 : memref<!tpu.dma_semaphore, #tpu.memory_space<semaphore_mem>>)
    %dma_start3A_88 = arith.constant 2 : i32
    %dma_start3A_89 = arith.constant 256 : i32
    %dma_start3A_90 = arith.constant 0 : i32
    %dma_start3A_91 = tpu.memref_slice %arg11[%dma_start3A_89, %dma_start3A_90] : memref<512x64xf32, #tpu.memory_space<vmem>> -> memref<128x64xf32, #tpu.memory_space<vmem>>
    %dma_start3A_92 = arith.constant 0 : i32
    %dma_start3A_93 = tpu.memref_slice %arg9[%dma_start3A_88, %dma_start3A_92] : memref<4x128xi32, #tpu.memory_space<vmem>> -> memref<1x128xi32, #tpu.memory_space<vmem>>
    %dma_start3A_94 = tpu.memref_squeeze %dma_start3A_93 : memref<1x128xi32, #tpu.memory_space<vmem>> -> memref<128xi32, #tpu.memory_space<vmem>>
    %dma_start3A_95 = arith.constant 0 : i32
    %dma_start3A_96 = arith.constant 0 : i32
    %dma_start3A_97 = tpu.memref_slice %arg4[%dma_start3A_95, %dma_start3A_96] : memref<1000000x64xf32, #tpu.memory_space<hbm>> -> memref<1000000x64xf32, #tpu.memory_space<hbm>>
    tpu.enqueue_indirect_dma source(%dma_start3A_97 : memref<1000000x64xf32, #tpu.memory_space<hbm>>) target(%dma_start3A_91 : memref<128x64xf32, #tpu.memory_space<vmem>>) offsets(%dma_start3A_94 : memref<128xi32, #tpu.memory_space<vmem>>) semaphore(%arg16 : memref<!tpu.dma_semaphore, #tpu.memory_space<semaphore_mem>>)
    %dma_start3A_98 = arith.constant 2 : i32
    %dma_start3A_99 = arith.constant 256 : i32
    %dma_start3A_100 = tpu.memref_slice %arg13[%dma_start3A_99] : memref<512xf32, #tpu.memory_space<vmem>> -> memref<128xf32, #tpu.memory_space<vmem>>
    %dma_start3A_101 = arith.constant 0 : i32
    %dma_start3A_102 = tpu.memref_slice %arg8[%dma_start3A_98, %dma_start3A_101] : memref<4x128xi32, #tpu.memory_space<vmem>> -> memref<1x128xi32, #tpu.memory_space<vmem>>
    %dma_start3A_103 = tpu.memref_squeeze %dma_start3A_102 : memref<1x128xi32, #tpu.memory_space<vmem>> -> memref<128xi32, #tpu.memory_space<vmem>>
    %dma_start3A_104 = arith.constant 0 : i32
    %dma_start3A_105 = tpu.memref_slice %arg5[%dma_start3A_104] : memref<1000000xf32, #tpu.memory_space<hbm>> -> memref<1000000xf32, #tpu.memory_space<hbm>>
    tpu.enqueue_indirect_dma source(%dma_start3A_105 : memref<1000000xf32, #tpu.memory_space<hbm>>) target(%dma_start3A_100 : memref<128xf32, #tpu.memory_space<vmem>>) offsets(%dma_start3A_103 : memref<128xi32, #tpu.memory_space<vmem>>) semaphore(%arg16 : memref<!tpu.dma_semaphore, #tpu.memory_space<semaphore_mem>>)
    %dma_start3A_106 = arith.constant 2 : i32
    %dma_start3A_107 = arith.constant 256 : i32
    %dma_start3A_108 = tpu.memref_slice %arg14[%dma_start3A_107] : memref<512xf32, #tpu.memory_space<vmem>> -> memref<128xf32, #tpu.memory_space<vmem>>
    %dma_start3A_109 = arith.constant 0 : i32
    %dma_start3A_110 = tpu.memref_slice %arg9[%dma_start3A_106, %dma_start3A_109] : memref<4x128xi32, #tpu.memory_space<vmem>> -> memref<1x128xi32, #tpu.memory_space<vmem>>
    %dma_start3A_111 = tpu.memref_squeeze %dma_start3A_110 : memref<1x128xi32, #tpu.memory_space<vmem>> -> memref<128xi32, #tpu.memory_space<vmem>>
    %dma_start3A_112 = arith.constant 0 : i32
    %dma_start3A_113 = tpu.memref_slice %arg5[%dma_start3A_112] : memref<1000000xf32, #tpu.memory_space<hbm>> -> memref<1000000xf32, #tpu.memory_space<hbm>>
    tpu.enqueue_indirect_dma source(%dma_start3A_113 : memref<1000000xf32, #tpu.memory_space<hbm>>) target(%dma_start3A_108 : memref<128xf32, #tpu.memory_space<vmem>>) offsets(%dma_start3A_111 : memref<128xi32, #tpu.memory_space<vmem>>) semaphore(%arg16 : memref<!tpu.dma_semaphore, #tpu.memory_space<semaphore_mem>>)
    %dma_start3A_114 = arith.constant 3 : i32
    %dma_start3A_115 = arith.constant 384 : i32
    %dma_start3A_116 = arith.constant 0 : i32
    %dma_start3A_117 = tpu.memref_slice %arg10[%dma_start3A_115, %dma_start3A_116] : memref<512x64xf32, #tpu.memory_space<vmem>> -> memref<128x64xf32, #tpu.memory_space<vmem>>
    %dma_start3A_118 = arith.constant 0 : i32
    %dma_start3A_119 = tpu.memref_slice %arg8[%dma_start3A_114, %dma_start3A_118] : memref<4x128xi32, #tpu.memory_space<vmem>> -> memref<1x128xi32, #tpu.memory_space<vmem>>
    %dma_start3A_120 = tpu.memref_squeeze %dma_start3A_119 : memref<1x128xi32, #tpu.memory_space<vmem>> -> memref<128xi32, #tpu.memory_space<vmem>>
    %dma_start3A_121 = arith.constant 0 : i32
    %dma_start3A_122 = arith.constant 0 : i32
    %dma_start3A_123 = tpu.memref_slice %arg4[%dma_start3A_121, %dma_start3A_122] : memref<1000000x64xf32, #tpu.memory_space<hbm>> -> memref<1000000x64xf32, #tpu.memory_space<hbm>>
    tpu.enqueue_indirect_dma source(%dma_start3A_123 : memref<1000000x64xf32, #tpu.memory_space<hbm>>) target(%dma_start3A_117 : memref<128x64xf32, #tpu.memory_space<vmem>>) offsets(%dma_start3A_120 : memref<128xi32, #tpu.memory_space<vmem>>) semaphore(%arg16 : memref<!tpu.dma_semaphore, #tpu.memory_space<semaphore_mem>>)
    %dma_start3A_124 = arith.constant 3 : i32
    %dma_start3A_125 = arith.constant 384 : i32
    %dma_start3A_126 = arith.constant 0 : i32
    %dma_start3A_127 = tpu.memref_slice %arg11[%dma_start3A_125, %dma_start3A_126] : memref<512x64xf32, #tpu.memory_space<vmem>> -> memref<128x64xf32, #tpu.memory_space<vmem>>
    %dma_start3A_128 = arith.constant 0 : i32
    %dma_start3A_129 = tpu.memref_slice %arg9[%dma_start3A_124, %dma_start3A_128] : memref<4x128xi32, #tpu.memory_space<vmem>> -> memref<1x128xi32, #tpu.memory_space<vmem>>
    %dma_start3A_130 = tpu.memref_squeeze %dma_start3A_129 : memref<1x128xi32, #tpu.memory_space<vmem>> -> memref<128xi32, #tpu.memory_space<vmem>>
    %dma_start3A_131 = arith.constant 0 : i32
    %dma_start3A_132 = arith.constant 0 : i32
    %dma_start3A_133 = tpu.memref_slice %arg4[%dma_start3A_131, %dma_start3A_132] : memref<1000000x64xf32, #tpu.memory_space<hbm>> -> memref<1000000x64xf32, #tpu.memory_space<hbm>>
    tpu.enqueue_indirect_dma source(%dma_start3A_133 : memref<1000000x64xf32, #tpu.memory_space<hbm>>) target(%dma_start3A_127 : memref<128x64xf32, #tpu.memory_space<vmem>>) offsets(%dma_start3A_130 : memref<128xi32, #tpu.memory_space<vmem>>) semaphore(%arg16 : memref<!tpu.dma_semaphore, #tpu.memory_space<semaphore_mem>>)
    %dma_start3A_134 = arith.constant 3 : i32
    %dma_start3A_135 = arith.constant 384 : i32
    %dma_start3A_136 = tpu.memref_slice %arg13[%dma_start3A_135] : memref<512xf32, #tpu.memory_space<vmem>> -> memref<128xf32, #tpu.memory_space<vmem>>
    %dma_start3A_137 = arith.constant 0 : i32
    %dma_start3A_138 = tpu.memref_slice %arg8[%dma_start3A_134, %dma_start3A_137] : memref<4x128xi32, #tpu.memory_space<vmem>> -> memref<1x128xi32, #tpu.memory_space<vmem>>
    %dma_start3A_139 = tpu.memref_squeeze %dma_start3A_138 : memref<1x128xi32, #tpu.memory_space<vmem>> -> memref<128xi32, #tpu.memory_space<vmem>>
    %dma_start3A_140 = arith.constant 0 : i32
    %dma_start3A_141 = tpu.memref_slice %arg5[%dma_start3A_140] : memref<1000000xf32, #tpu.memory_space<hbm>> -> memref<1000000xf32, #tpu.memory_space<hbm>>
    tpu.enqueue_indirect_dma source(%dma_start3A_141 : memref<1000000xf32, #tpu.memory_space<hbm>>) target(%dma_start3A_136 : memref<128xf32, #tpu.memory_space<vmem>>) offsets(%dma_start3A_139 : memref<128xi32, #tpu.memory_space<vmem>>) semaphore(%arg16 : memref<!tpu.dma_semaphore, #tpu.memory_space<semaphore_mem>>)
    %dma_start3A_142 = arith.constant 3 : i32
    %dma_start3A_143 = arith.constant 384 : i32
    %dma_start3A_144 = tpu.memref_slice %arg14[%dma_start3A_143] : memref<512xf32, #tpu.memory_space<vmem>> -> memref<128xf32, #tpu.memory_space<vmem>>
    %dma_start3A_145 = arith.constant 0 : i32
    %dma_start3A_146 = tpu.memref_slice %arg9[%dma_start3A_142, %dma_start3A_145] : memref<4x128xi32, #tpu.memory_space<vmem>> -> memref<1x128xi32, #tpu.memory_space<vmem>>
    %dma_start3A_147 = tpu.memref_squeeze %dma_start3A_146 : memref<1x128xi32, #tpu.memory_space<vmem>> -> memref<128xi32, #tpu.memory_space<vmem>>
    %dma_start3A_148 = arith.constant 0 : i32
    %dma_start3A_149 = tpu.memref_slice %arg5[%dma_start3A_148] : memref<1000000xf32, #tpu.memory_space<hbm>> -> memref<1000000xf32, #tpu.memory_space<hbm>>
    tpu.enqueue_indirect_dma source(%dma_start3A_149 : memref<1000000xf32, #tpu.memory_space<hbm>>) target(%dma_start3A_144 : memref<128xf32, #tpu.memory_space<vmem>>) offsets(%dma_start3A_147 : memref<128xi32, #tpu.memory_space<vmem>>) semaphore(%arg16 : memref<!tpu.dma_semaphore, #tpu.memory_space<semaphore_mem>>)
    %dma_wait3A = arith.constant 0 : i32
    %dma_wait3A_150 = arith.constant 0 : i32
    %dma_wait3A_151 = arith.constant 0 : i32
    %dma_wait3A_152 = tpu.memref_slice %arg10[%dma_wait3A_150, %dma_wait3A_151] : memref<512x64xf32, #tpu.memory_space<vmem>> -> memref<128x64xf32, #tpu.memory_space<vmem>>
    %dma_wait3A_153 = arith.constant 0 : i32
    %dma_wait3A_154 = tpu.memref_slice %arg8[%dma_wait3A, %dma_wait3A_153] : memref<4x128xi32, #tpu.memory_space<vmem>> -> memref<1x128xi32, #tpu.memory_space<vmem>>
    %dma_wait3A_155 = tpu.memref_squeeze %dma_wait3A_154 : memref<1x128xi32, #tpu.memory_space<vmem>> -> memref<128xi32, #tpu.memory_space<vmem>>
    %dma_wait3A_156 = arith.constant 0 : i32
    %dma_wait3A_157 = arith.constant 0 : i32
    %dma_wait3A_158 = tpu.memref_slice %arg4[%dma_wait3A_156, %dma_wait3A_157] : memref<1000000x64xf32, #tpu.memory_space<hbm>> -> memref<1000000x64xf32, #tpu.memory_space<hbm>>
    tpu.wait_indirect_dma semaphore(%arg16 : memref<!tpu.dma_semaphore, #tpu.memory_space<semaphore_mem>>) src(%dma_wait3A_158 : memref<1000000x64xf32, #tpu.memory_space<hbm>>) dst(%dma_wait3A_152 : memref<128x64xf32, #tpu.memory_space<vmem>>)
    %dma_wait3A_159 = arith.constant 0 : i32
    %dma_wait3A_160 = arith.constant 0 : i32
    %dma_wait3A_161 = arith.constant 0 : i32
    %dma_wait3A_162 = tpu.memref_slice %arg11[%dma_wait3A_160, %dma_wait3A_161] : memref<512x64xf32, #tpu.memory_space<vmem>> -> memref<128x64xf32, #tpu.memory_space<vmem>>
    %dma_wait3A_163 = arith.constant 0 : i32
    %dma_wait3A_164 = tpu.memref_slice %arg9[%dma_wait3A_159, %dma_wait3A_163] : memref<4x128xi32, #tpu.memory_space<vmem>> -> memref<1x128xi32, #tpu.memory_space<vmem>>
    %dma_wait3A_165 = tpu.memref_squeeze %dma_wait3A_164 : memref<1x128xi32, #tpu.memory_space<vmem>> -> memref<128xi32, #tpu.memory_space<vmem>>
    %dma_wait3A_166 = arith.constant 0 : i32
    %dma_wait3A_167 = arith.constant 0 : i32
    %dma_wait3A_168 = tpu.memref_slice %arg4[%dma_wait3A_166, %dma_wait3A_167] : memref<1000000x64xf32, #tpu.memory_space<hbm>> -> memref<1000000x64xf32, #tpu.memory_space<hbm>>
    tpu.wait_indirect_dma semaphore(%arg16 : memref<!tpu.dma_semaphore, #tpu.memory_space<semaphore_mem>>) src(%dma_wait3A_168 : memref<1000000x64xf32, #tpu.memory_space<hbm>>) dst(%dma_wait3A_162 : memref<128x64xf32, #tpu.memory_space<vmem>>)
    %dma_wait3A_169 = arith.constant 0 : i32
    %dma_wait3A_170 = arith.constant 0 : i32
    %dma_wait3A_171 = tpu.memref_slice %arg13[%dma_wait3A_170] : memref<512xf32, #tpu.memory_space<vmem>> -> memref<128xf32, #tpu.memory_space<vmem>>
    %dma_wait3A_172 = arith.constant 0 : i32
    %dma_wait3A_173 = tpu.memref_slice %arg8[%dma_wait3A_169, %dma_wait3A_172] : memref<4x128xi32, #tpu.memory_space<vmem>> -> memref<1x128xi32, #tpu.memory_space<vmem>>
    %dma_wait3A_174 = tpu.memref_squeeze %dma_wait3A_173 : memref<1x128xi32, #tpu.memory_space<vmem>> -> memref<128xi32, #tpu.memory_space<vmem>>
    %dma_wait3A_175 = arith.constant 0 : i32
    %dma_wait3A_176 = tpu.memref_slice %arg5[%dma_wait3A_175] : memref<1000000xf32, #tpu.memory_space<hbm>> -> memref<1000000xf32, #tpu.memory_space<hbm>>
    tpu.wait_indirect_dma semaphore(%arg16 : memref<!tpu.dma_semaphore, #tpu.memory_space<semaphore_mem>>) src(%dma_wait3A_176 : memref<1000000xf32, #tpu.memory_space<hbm>>) dst(%dma_wait3A_171 : memref<128xf32, #tpu.memory_space<vmem>>)
    %dma_wait3A_177 = arith.constant 0 : i32
    %dma_wait3A_178 = arith.constant 0 : i32
    %dma_wait3A_179 = tpu.memref_slice %arg14[%dma_wait3A_178] : memref<512xf32, #tpu.memory_space<vmem>> -> memref<128xf32, #tpu.memory_space<vmem>>
    %dma_wait3A_180 = arith.constant 0 : i32
    %dma_wait3A_181 = tpu.memref_slice %arg9[%dma_wait3A_177, %dma_wait3A_180] : memref<4x128xi32, #tpu.memory_space<vmem>> -> memref<1x128xi32, #tpu.memory_space<vmem>>
    %dma_wait3A_182 = tpu.memref_squeeze %dma_wait3A_181 : memref<1x128xi32, #tpu.memory_space<vmem>> -> memref<128xi32, #tpu.memory_space<vmem>>
    %dma_wait3A_183 = arith.constant 0 : i32
    %dma_wait3A_184 = tpu.memref_slice %arg5[%dma_wait3A_183] : memref<1000000xf32, #tpu.memory_space<hbm>> -> memref<1000000xf32, #tpu.memory_space<hbm>>
    tpu.wait_indirect_dma semaphore(%arg16 : memref<!tpu.dma_semaphore, #tpu.memory_space<semaphore_mem>>) src(%dma_wait3A_184 : memref<1000000xf32, #tpu.memory_space<hbm>>) dst(%dma_wait3A_179 : memref<128xf32, #tpu.memory_space<vmem>>)
    %dma_wait3A_185 = arith.constant 1 : i32
    %dma_wait3A_186 = arith.constant 128 : i32
    %dma_wait3A_187 = arith.constant 0 : i32
    %dma_wait3A_188 = tpu.memref_slice %arg10[%dma_wait3A_186, %dma_wait3A_187] : memref<512x64xf32, #tpu.memory_space<vmem>> -> memref<128x64xf32, #tpu.memory_space<vmem>>
    %dma_wait3A_189 = arith.constant 0 : i32
    %dma_wait3A_190 = tpu.memref_slice %arg8[%dma_wait3A_185, %dma_wait3A_189] : memref<4x128xi32, #tpu.memory_space<vmem>> -> memref<1x128xi32, #tpu.memory_space<vmem>>
    %dma_wait3A_191 = tpu.memref_squeeze %dma_wait3A_190 : memref<1x128xi32, #tpu.memory_space<vmem>> -> memref<128xi32, #tpu.memory_space<vmem>>
    %dma_wait3A_192 = arith.constant 0 : i32
    %dma_wait3A_193 = arith.constant 0 : i32
    %dma_wait3A_194 = tpu.memref_slice %arg4[%dma_wait3A_192, %dma_wait3A_193] : memref<1000000x64xf32, #tpu.memory_space<hbm>> -> memref<1000000x64xf32, #tpu.memory_space<hbm>>
    tpu.wait_indirect_dma semaphore(%arg16 : memref<!tpu.dma_semaphore, #tpu.memory_space<semaphore_mem>>) src(%dma_wait3A_194 : memref<1000000x64xf32, #tpu.memory_space<hbm>>) dst(%dma_wait3A_188 : memref<128x64xf32, #tpu.memory_space<vmem>>)
    %dma_wait3A_195 = arith.constant 1 : i32
    %dma_wait3A_196 = arith.constant 128 : i32
    %dma_wait3A_197 = arith.constant 0 : i32
    %dma_wait3A_198 = tpu.memref_slice %arg11[%dma_wait3A_196, %dma_wait3A_197] : memref<512x64xf32, #tpu.memory_space<vmem>> -> memref<128x64xf32, #tpu.memory_space<vmem>>
    %dma_wait3A_199 = arith.constant 0 : i32
    %dma_wait3A_200 = tpu.memref_slice %arg9[%dma_wait3A_195, %dma_wait3A_199] : memref<4x128xi32, #tpu.memory_space<vmem>> -> memref<1x128xi32, #tpu.memory_space<vmem>>
    %dma_wait3A_201 = tpu.memref_squeeze %dma_wait3A_200 : memref<1x128xi32, #tpu.memory_space<vmem>> -> memref<128xi32, #tpu.memory_space<vmem>>
    %dma_wait3A_202 = arith.constant 0 : i32
    %dma_wait3A_203 = arith.constant 0 : i32
    %dma_wait3A_204 = tpu.memref_slice %arg4[%dma_wait3A_202, %dma_wait3A_203] : memref<1000000x64xf32, #tpu.memory_space<hbm>> -> memref<1000000x64xf32, #tpu.memory_space<hbm>>
    tpu.wait_indirect_dma semaphore(%arg16 : memref<!tpu.dma_semaphore, #tpu.memory_space<semaphore_mem>>) src(%dma_wait3A_204 : memref<1000000x64xf32, #tpu.memory_space<hbm>>) dst(%dma_wait3A_198 : memref<128x64xf32, #tpu.memory_space<vmem>>)
    %dma_wait3A_205 = arith.constant 1 : i32
    %dma_wait3A_206 = arith.constant 128 : i32
    %dma_wait3A_207 = tpu.memref_slice %arg13[%dma_wait3A_206] : memref<512xf32, #tpu.memory_space<vmem>> -> memref<128xf32, #tpu.memory_space<vmem>>
    %dma_wait3A_208 = arith.constant 0 : i32
    %dma_wait3A_209 = tpu.memref_slice %arg8[%dma_wait3A_205, %dma_wait3A_208] : memref<4x128xi32, #tpu.memory_space<vmem>> -> memref<1x128xi32, #tpu.memory_space<vmem>>
    %dma_wait3A_210 = tpu.memref_squeeze %dma_wait3A_209 : memref<1x128xi32, #tpu.memory_space<vmem>> -> memref<128xi32, #tpu.memory_space<vmem>>
    %dma_wait3A_211 = arith.constant 0 : i32
    %dma_wait3A_212 = tpu.memref_slice %arg5[%dma_wait3A_211] : memref<1000000xf32, #tpu.memory_space<hbm>> -> memref<1000000xf32, #tpu.memory_space<hbm>>
    tpu.wait_indirect_dma semaphore(%arg16 : memref<!tpu.dma_semaphore, #tpu.memory_space<semaphore_mem>>) src(%dma_wait3A_212 : memref<1000000xf32, #tpu.memory_space<hbm>>) dst(%dma_wait3A_207 : memref<128xf32, #tpu.memory_space<vmem>>)
    %dma_wait3A_213 = arith.constant 1 : i32
    %dma_wait3A_214 = arith.constant 128 : i32
    %dma_wait3A_215 = tpu.memref_slice %arg14[%dma_wait3A_214] : memref<512xf32, #tpu.memory_space<vmem>> -> memref<128xf32, #tpu.memory_space<vmem>>
    %dma_wait3A_216 = arith.constant 0 : i32
    %dma_wait3A_217 = tpu.memref_slice %arg9[%dma_wait3A_213, %dma_wait3A_216] : memref<4x128xi32, #tpu.memory_space<vmem>> -> memref<1x128xi32, #tpu.memory_space<vmem>>
    %dma_wait3A_218 = tpu.memref_squeeze %dma_wait3A_217 : memref<1x128xi32, #tpu.memory_space<vmem>> -> memref<128xi32, #tpu.memory_space<vmem>>
    %dma_wait3A_219 = arith.constant 0 : i32
    %dma_wait3A_220 = tpu.memref_slice %arg5[%dma_wait3A_219] : memref<1000000xf32, #tpu.memory_space<hbm>> -> memref<1000000xf32, #tpu.memory_space<hbm>>
    tpu.wait_indirect_dma semaphore(%arg16 : memref<!tpu.dma_semaphore, #tpu.memory_space<semaphore_mem>>) src(%dma_wait3A_220 : memref<1000000xf32, #tpu.memory_space<hbm>>) dst(%dma_wait3A_215 : memref<128xf32, #tpu.memory_space<vmem>>)
    %dma_wait3A_221 = arith.constant 2 : i32
    %dma_wait3A_222 = arith.constant 256 : i32
    %dma_wait3A_223 = arith.constant 0 : i32
    %dma_wait3A_224 = tpu.memref_slice %arg10[%dma_wait3A_222, %dma_wait3A_223] : memref<512x64xf32, #tpu.memory_space<vmem>> -> memref<128x64xf32, #tpu.memory_space<vmem>>
    %dma_wait3A_225 = arith.constant 0 : i32
    %dma_wait3A_226 = tpu.memref_slice %arg8[%dma_wait3A_221, %dma_wait3A_225] : memref<4x128xi32, #tpu.memory_space<vmem>> -> memref<1x128xi32, #tpu.memory_space<vmem>>
    %dma_wait3A_227 = tpu.memref_squeeze %dma_wait3A_226 : memref<1x128xi32, #tpu.memory_space<vmem>> -> memref<128xi32, #tpu.memory_space<vmem>>
    %dma_wait3A_228 = arith.constant 0 : i32
    %dma_wait3A_229 = arith.constant 0 : i32
    %dma_wait3A_230 = tpu.memref_slice %arg4[%dma_wait3A_228, %dma_wait3A_229] : memref<1000000x64xf32, #tpu.memory_space<hbm>> -> memref<1000000x64xf32, #tpu.memory_space<hbm>>
    tpu.wait_indirect_dma semaphore(%arg16 : memref<!tpu.dma_semaphore, #tpu.memory_space<semaphore_mem>>) src(%dma_wait3A_230 : memref<1000000x64xf32, #tpu.memory_space<hbm>>) dst(%dma_wait3A_224 : memref<128x64xf32, #tpu.memory_space<vmem>>)
    %dma_wait3A_231 = arith.constant 2 : i32
    %dma_wait3A_232 = arith.constant 256 : i32
    %dma_wait3A_233 = arith.constant 0 : i32
    %dma_wait3A_234 = tpu.memref_slice %arg11[%dma_wait3A_232, %dma_wait3A_233] : memref<512x64xf32, #tpu.memory_space<vmem>> -> memref<128x64xf32, #tpu.memory_space<vmem>>
    %dma_wait3A_235 = arith.constant 0 : i32
    %dma_wait3A_236 = tpu.memref_slice %arg9[%dma_wait3A_231, %dma_wait3A_235] : memref<4x128xi32, #tpu.memory_space<vmem>> -> memref<1x128xi32, #tpu.memory_space<vmem>>
    %dma_wait3A_237 = tpu.memref_squeeze %dma_wait3A_236 : memref<1x128xi32, #tpu.memory_space<vmem>> -> memref<128xi32, #tpu.memory_space<vmem>>
    %dma_wait3A_238 = arith.constant 0 : i32
    %dma_wait3A_239 = arith.constant 0 : i32
    %dma_wait3A_240 = tpu.memref_slice %arg4[%dma_wait3A_238, %dma_wait3A_239] : memref<1000000x64xf32, #tpu.memory_space<hbm>> -> memref<1000000x64xf32, #tpu.memory_space<hbm>>
    tpu.wait_indirect_dma semaphore(%arg16 : memref<!tpu.dma_semaphore, #tpu.memory_space<semaphore_mem>>) src(%dma_wait3A_240 : memref<1000000x64xf32, #tpu.memory_space<hbm>>) dst(%dma_wait3A_234 : memref<128x64xf32, #tpu.memory_space<vmem>>)
    %dma_wait3A_241 = arith.constant 2 : i32
    %dma_wait3A_242 = arith.constant 256 : i32
    %dma_wait3A_243 = tpu.memref_slice %arg13[%dma_wait3A_242] : memref<512xf32, #tpu.memory_space<vmem>> -> memref<128xf32, #tpu.memory_space<vmem>>
    %dma_wait3A_244 = arith.constant 0 : i32
    %dma_wait3A_245 = tpu.memref_slice %arg8[%dma_wait3A_241, %dma_wait3A_244] : memref<4x128xi32, #tpu.memory_space<vmem>> -> memref<1x128xi32, #tpu.memory_space<vmem>>
    %dma_wait3A_246 = tpu.memref_squeeze %dma_wait3A_245 : memref<1x128xi32, #tpu.memory_space<vmem>> -> memref<128xi32, #tpu.memory_space<vmem>>
    %dma_wait3A_247 = arith.constant 0 : i32
    %dma_wait3A_248 = tpu.memref_slice %arg5[%dma_wait3A_247] : memref<1000000xf32, #tpu.memory_space<hbm>> -> memref<1000000xf32, #tpu.memory_space<hbm>>
    tpu.wait_indirect_dma semaphore(%arg16 : memref<!tpu.dma_semaphore, #tpu.memory_space<semaphore_mem>>) src(%dma_wait3A_248 : memref<1000000xf32, #tpu.memory_space<hbm>>) dst(%dma_wait3A_243 : memref<128xf32, #tpu.memory_space<vmem>>)
    %dma_wait3A_249 = arith.constant 2 : i32
    %dma_wait3A_250 = arith.constant 256 : i32
    %dma_wait3A_251 = tpu.memref_slice %arg14[%dma_wait3A_250] : memref<512xf32, #tpu.memory_space<vmem>> -> memref<128xf32, #tpu.memory_space<vmem>>
    %dma_wait3A_252 = arith.constant 0 : i32
    %dma_wait3A_253 = tpu.memref_slice %arg9[%dma_wait3A_249, %dma_wait3A_252] : memref<4x128xi32, #tpu.memory_space<vmem>> -> memref<1x128xi32, #tpu.memory_space<vmem>>
    %dma_wait3A_254 = tpu.memref_squeeze %dma_wait3A_253 : memref<1x128xi32, #tpu.memory_space<vmem>> -> memref<128xi32, #tpu.memory_space<vmem>>
    %dma_wait3A_255 = arith.constant 0 : i32
    %dma_wait3A_256 = tpu.memref_slice %arg5[%dma_wait3A_255] : memref<1000000xf32, #tpu.memory_space<hbm>> -> memref<1000000xf32, #tpu.memory_space<hbm>>
    tpu.wait_indirect_dma semaphore(%arg16 : memref<!tpu.dma_semaphore, #tpu.memory_space<semaphore_mem>>) src(%dma_wait3A_256 : memref<1000000xf32, #tpu.memory_space<hbm>>) dst(%dma_wait3A_251 : memref<128xf32, #tpu.memory_space<vmem>>)
    %dma_wait3A_257 = arith.constant 3 : i32
    %dma_wait3A_258 = arith.constant 384 : i32
    %dma_wait3A_259 = arith.constant 0 : i32
    %dma_wait3A_260 = tpu.memref_slice %arg10[%dma_wait3A_258, %dma_wait3A_259] : memref<512x64xf32, #tpu.memory_space<vmem>> -> memref<128x64xf32, #tpu.memory_space<vmem>>
    %dma_wait3A_261 = arith.constant 0 : i32
    %dma_wait3A_262 = tpu.memref_slice %arg8[%dma_wait3A_257, %dma_wait3A_261] : memref<4x128xi32, #tpu.memory_space<vmem>> -> memref<1x128xi32, #tpu.memory_space<vmem>>
    %dma_wait3A_263 = tpu.memref_squeeze %dma_wait3A_262 : memref<1x128xi32, #tpu.memory_space<vmem>> -> memref<128xi32, #tpu.memory_space<vmem>>
    %dma_wait3A_264 = arith.constant 0 : i32
    %dma_wait3A_265 = arith.constant 0 : i32
    %dma_wait3A_266 = tpu.memref_slice %arg4[%dma_wait3A_264, %dma_wait3A_265] : memref<1000000x64xf32, #tpu.memory_space<hbm>> -> memref<1000000x64xf32, #tpu.memory_space<hbm>>
    tpu.wait_indirect_dma semaphore(%arg16 : memref<!tpu.dma_semaphore, #tpu.memory_space<semaphore_mem>>) src(%dma_wait3A_266 : memref<1000000x64xf32, #tpu.memory_space<hbm>>) dst(%dma_wait3A_260 : memref<128x64xf32, #tpu.memory_space<vmem>>)
    %dma_wait3A_267 = arith.constant 3 : i32
    %dma_wait3A_268 = arith.constant 384 : i32
    %dma_wait3A_269 = arith.constant 0 : i32
    %dma_wait3A_270 = tpu.memref_slice %arg11[%dma_wait3A_268, %dma_wait3A_269] : memref<512x64xf32, #tpu.memory_space<vmem>> -> memref<128x64xf32, #tpu.memory_space<vmem>>
    %dma_wait3A_271 = arith.constant 0 : i32
    %dma_wait3A_272 = tpu.memref_slice %arg9[%dma_wait3A_267, %dma_wait3A_271] : memref<4x128xi32, #tpu.memory_space<vmem>> -> memref<1x128xi32, #tpu.memory_space<vmem>>
    %dma_wait3A_273 = tpu.memref_squeeze %dma_wait3A_272 : memref<1x128xi32, #tpu.memory_space<vmem>> -> memref<128xi32, #tpu.memory_space<vmem>>
    %dma_wait3A_274 = arith.constant 0 : i32
    %dma_wait3A_275 = arith.constant 0 : i32
    %dma_wait3A_276 = tpu.memref_slice %arg4[%dma_wait3A_274, %dma_wait3A_275] : memref<1000000x64xf32, #tpu.memory_space<hbm>> -> memref<1000000x64xf32, #tpu.memory_space<hbm>>
    tpu.wait_indirect_dma semaphore(%arg16 : memref<!tpu.dma_semaphore, #tpu.memory_space<semaphore_mem>>) src(%dma_wait3A_276 : memref<1000000x64xf32, #tpu.memory_space<hbm>>) dst(%dma_wait3A_270 : memref<128x64xf32, #tpu.memory_space<vmem>>)
    %dma_wait3A_277 = arith.constant 3 : i32
    %dma_wait3A_278 = arith.constant 384 : i32
    %dma_wait3A_279 = tpu.memref_slice %arg13[%dma_wait3A_278] : memref<512xf32, #tpu.memory_space<vmem>> -> memref<128xf32, #tpu.memory_space<vmem>>
    %dma_wait3A_280 = arith.constant 0 : i32
    %dma_wait3A_281 = tpu.memref_slice %arg8[%dma_wait3A_277, %dma_wait3A_280] : memref<4x128xi32, #tpu.memory_space<vmem>> -> memref<1x128xi32, #tpu.memory_space<vmem>>
    %dma_wait3A_282 = tpu.memref_squeeze %dma_wait3A_281 : memref<1x128xi32, #tpu.memory_space<vmem>> -> memref<128xi32, #tpu.memory_space<vmem>>
    %dma_wait3A_283 = arith.constant 0 : i32
    %dma_wait3A_284 = tpu.memref_slice %arg5[%dma_wait3A_283] : memref<1000000xf32, #tpu.memory_space<hbm>> -> memref<1000000xf32, #tpu.memory_space<hbm>>
    tpu.wait_indirect_dma semaphore(%arg16 : memref<!tpu.dma_semaphore, #tpu.memory_space<semaphore_mem>>) src(%dma_wait3A_284 : memref<1000000xf32, #tpu.memory_space<hbm>>) dst(%dma_wait3A_279 : memref<128xf32, #tpu.memory_space<vmem>>)
    %dma_wait3A_285 = arith.constant 3 : i32
    %dma_wait3A_286 = arith.constant 384 : i32
    %dma_wait3A_287 = tpu.memref_slice %arg14[%dma_wait3A_286] : memref<512xf32, #tpu.memory_space<vmem>> -> memref<128xf32, #tpu.memory_space<vmem>>
    %dma_wait3A_288 = arith.constant 0 : i32
    %dma_wait3A_289 = tpu.memref_slice %arg9[%dma_wait3A_285, %dma_wait3A_288] : memref<4x128xi32, #tpu.memory_space<vmem>> -> memref<1x128xi32, #tpu.memory_space<vmem>>
    %dma_wait3A_290 = tpu.memref_squeeze %dma_wait3A_289 : memref<1x128xi32, #tpu.memory_space<vmem>> -> memref<128xi32, #tpu.memory_space<vmem>>
    %dma_wait3A_291 = arith.constant 0 : i32
    %dma_wait3A_292 = tpu.memref_slice %arg5[%dma_wait3A_291] : memref<1000000xf32, #tpu.memory_space<hbm>> -> memref<1000000xf32, #tpu.memory_space<hbm>>
    tpu.wait_indirect_dma semaphore(%arg16 : memref<!tpu.dma_semaphore, #tpu.memory_space<semaphore_mem>>) src(%dma_wait3A_292 : memref<1000000xf32, #tpu.memory_space<hbm>>) dst(%dma_wait3A_287 : memref<128xf32, #tpu.memory_space<vmem>>)
    %iota3A = tpu.iota {dimensions = array<i32: 0>} : vector<16xi32>
    %scan3A = arith.constant 0 : i32
    %scan3A_293 = arith.constant 0 : i32
    %scan3A_294 = arith.constant 32 : i32
    %scan3A_295 = arith.addi %scan3A_293, %scan3A_294 : i32
    %scan3A_296 = arith.constant 1 : i32
    scf.for %scan3A_298 = %scan3A_293 to %scan3A_295 step %scan3A_296  : i32 {
      %mul3A_299 = arith.constant 16 : i32
      %mul3A_300 = arith.muli %scan3A_298, %mul3A_299 : i32
      %add3A_301 = vector.broadcast %mul3A_300 : i32 to vector<16xi32>
      %add3A_302 = arith.addi %add3A_301, %iota3A : vector<16xi32>
      %mul3A_303 = arith.constant 16 : i32
      %mul3A_304 = arith.muli %scan3A_298, %mul3A_303 : i32
      %get3A = arith.index_cast %mul3A_304 : i32 to index
      %get3A_305 = tpu.vector_load %arg13[%get3A] {strides = array<i32>} : memref<512xf32, #tpu.memory_space<vmem>>, vector<16xf32>,
      %get3A_306 = arith.index_cast %mul3A_304 : i32 to index
      %get3A_307 = tpu.vector_load %arg14[%get3A_306] {strides = array<i32>} : memref<512xf32, #tpu.memory_space<vmem>>, vector<16xf32>,
      %sub3A = arith.subf %get3A_305, %get3A_307 : vector<16xf32>
      %swap3A = arith.index_cast %mul3A_304 : i32 to index
      %swap3A_308 = tpu.vector_load %arg15[%swap3A] {strides = array<i32>} : memref<512xf32, #tpu.memory_space<vmem>>, vector<16xf32>,
      tpu.vector_store %arg15[%swap3A], %sub3A {strides = array<i32>} : memref<512xf32, #tpu.memory_space<vmem>>, vector<16xf32>,
      %broadcast_in_dim3A = arith.constant 0 : i32
      %broadcast_in_dim3A_309 = vector.broadcast %broadcast_in_dim3A : i32 to vector<16xi32>
      %gather3A = tpu.vector_load_idx %arg10[%add3A_302, %broadcast_in_dim3A_309] : memref<512x64xf32, #tpu.memory_space<vmem>>[vector<16xi32>, vector<16xi32>], vector<16xf32>,
      %gather3A_310 = tpu.vector_load_idx %arg11[%add3A_302, %broadcast_in_dim3A_309] : memref<512x64xf32, #tpu.memory_space<vmem>>[vector<16xi32>, vector<16xi32>], vector<16xf32>,
      %sub3A_311 = arith.subf %gather3A, %gather3A_310 : vector<16xf32>
      tpu.vector_store_idx %arg12[%add3A_302, %broadcast_in_dim3A_309], %sub3A_311 : memref<512x64xf32, #tpu.memory_space<vmem>>[vector<16xi32>, vector<16xi32>], vector<16xf32>,
      %broadcast_in_dim3A_312 = arith.constant 1 : i32
      %broadcast_in_dim3A_313 = vector.broadcast %broadcast_in_dim3A_312 : i32 to vector<16xi32>
      %gather3A_314 = tpu.vector_load_idx %arg10[%add3A_302, %broadcast_in_dim3A_313] : memref<512x64xf32, #tpu.memory_space<vmem>>[vector<16xi32>, vector<16xi32>], vector<16xf32>,
      %gather3A_315 = tpu.vector_load_idx %arg11[%add3A_302, %broadcast_in_dim3A_313] : memref<512x64xf32, #tpu.memory_space<vmem>>[vector<16xi32>, vector<16xi32>], vector<16xf32>,
      %sub3A_316 = arith.subf %gather3A_314, %gather3A_315 : vector<16xf32>
      tpu.vector_store_idx %arg12[%add3A_302, %broadcast_in_dim3A_313], %sub3A_316 : memref<512x64xf32, #tpu.memory_space<vmem>>[vector<16xi32>, vector<16xi32>], vector<16xf32>,
      %broadcast_in_dim3A_317 = arith.constant 2 : i32
      %broadcast_in_dim3A_318 = vector.broadcast %broadcast_in_dim3A_317 : i32 to vector<16xi32>
      %gather3A_319 = tpu.vector_load_idx %arg10[%add3A_302, %broadcast_in_dim3A_318] : memref<512x64xf32, #tpu.memory_space<vmem>>[vector<16xi32>, vector<16xi32>], vector<16xf32>,
      %gather3A_320 = tpu.vector_load_idx %arg11[%add3A_302, %broadcast_in_dim3A_318] : memref<512x64xf32, #tpu.memory_space<vmem>>[vector<16xi32>, vector<16xi32>], vector<16xf32>,
      %sub3A_321 = arith.subf %gather3A_319, %gather3A_320 : vector<16xf32>
      tpu.vector_store_idx %arg12[%add3A_302, %broadcast_in_dim3A_318], %sub3A_321 : memref<512x64xf32, #tpu.memory_space<vmem>>[vector<16xi32>, vector<16xi32>], vector<16xf32>,
      %broadcast_in_dim3A_322 = arith.constant 3 : i32
      %broadcast_in_dim3A_323 = vector.broadcast %broadcast_in_dim3A_322 : i32 to vector<16xi32>
      %gather3A_324 = tpu.vector_load_idx %arg10[%add3A_302, %broadcast_in_dim3A_323] : memref<512x64xf32, #tpu.memory_space<vmem>>[vector<16xi32>, vector<16xi32>], vector<16xf32>,
      %gather3A_325 = tpu.vector_load_idx %arg11[%add3A_302, %broadcast_in_dim3A_323] : memref<512x64xf32, #tpu.memory_space<vmem>>[vector<16xi32>, vector<16xi32>], vector<16xf32>,
      %sub3A_326 = arith.subf %gather3A_324, %gather3A_325 : vector<16xf32>
      tpu.vector_store_idx %arg12[%add3A_302, %broadcast_in_dim3A_323], %sub3A_326 : memref<512x64xf32, #tpu.memory_space<vmem>>[vector<16xi32>, vector<16xi32>], vector<16xf32>,
      %broadcast_in_dim3A_327 = arith.constant 4 : i32
      %broadcast_in_dim3A_328 = vector.broadcast %broadcast_in_dim3A_327 : i32 to vector<16xi32>
      %gather3A_329 = tpu.vector_load_idx %arg10[%add3A_302, %broadcast_in_dim3A_328] : memref<512x64xf32, #tpu.memory_space<vmem>>[vector<16xi32>, vector<16xi32>], vector<16xf32>,
      %gather3A_330 = tpu.vector_load_idx %arg11[%add3A_302, %broadcast_in_dim3A_328] : memref<512x64xf32, #tpu.memory_space<vmem>>[vector<16xi32>, vector<16xi32>], vector<16xf32>,
      %sub3A_331 = arith.subf %gather3A_329, %gather3A_330 : vector<16xf32>
      tpu.vector_store_idx %arg12[%add3A_302, %broadcast_in_dim3A_328], %sub3A_331 : memref<512x64xf32, #tpu.memory_space<vmem>>[vector<16xi32>, vector<16xi32>], vector<16xf32>,
      %broadcast_in_dim3A_332 = arith.constant 5 : i32
      %broadcast_in_dim3A_333 = vector.broadcast %broadcast_in_dim3A_332 : i32 to vector<16xi32>
      %gather3A_334 = tpu.vector_load_idx %arg10[%add3A_302, %broadcast_in_dim3A_333] : memref<512x64xf32, #tpu.memory_space<vmem>>[vector<16xi32>, vector<16xi32>], vector<16xf32>,
      %gather3A_335 = tpu.vector_load_idx %arg11[%add3A_302, %broadcast_in_dim3A_333] : memref<512x64xf32, #tpu.memory_space<vmem>>[vector<16xi32>, vector<16xi32>], vector<16xf32>,
      %sub3A_336 = arith.subf %gather3A_334, %gather3A_335 : vector<16xf32>
      tpu.vector_store_idx %arg12[%add3A_302, %broadcast_in_dim3A_333], %sub3A_336 : memref<512x64xf32, #tpu.memory_space<vmem>>[vector<16xi32>, vector<16xi32>], vector<16xf32>,
      %broadcast_in_dim3A_337 = arith.constant 6 : i32
      %broadcast_in_dim3A_338 = vector.broadcast %broadcast_in_dim3A_337 : i32 to vector<16xi32>
      %gather3A_339 = tpu.vector_load_idx %arg10[%add3A_302, %broadcast_in_dim3A_338] : memref<512x64xf32, #tpu.memory_space<vmem>>[vector<16xi32>, vector<16xi32>], vector<16xf32>,
      %gather3A_340 = tpu.vector_load_idx %arg11[%add3A_302, %broadcast_in_dim3A_338] : memref<512x64xf32, #tpu.memory_space<vmem>>[vector<16xi32>, vector<16xi32>], vector<16xf32>,
      %sub3A_341 = arith.subf %gather3A_339, %gather3A_340 : vector<16xf32>
      tpu.vector_store_idx %arg12[%add3A_302, %broadcast_in_dim3A_338], %sub3A_341 : memref<512x64xf32, #tpu.memory_space<vmem>>[vector<16xi32>, vector<16xi32>], vector<16xf32>,
      %broadcast_in_dim3A_342 = arith.constant 7 : i32
      %broadcast_in_dim3A_343 = vector.broadcast %broadcast_in_dim3A_342 : i32 to vector<16xi32>
      %gather3A_344 = tpu.vector_load_idx %arg10[%add3A_302, %broadcast_in_dim3A_343] : memref<512x64xf32, #tpu.memory_space<vmem>>[vector<16xi32>, vector<16xi32>], vector<16xf32>,
      %gather3A_345 = tpu.vector_load_idx %arg11[%add3A_302, %broadcast_in_dim3A_343] : memref<512x64xf32, #tpu.memory_space<vmem>>[vector<16xi32>, vector<16xi32>], vector<16xf32>,
      %sub3A_346 = arith.subf %gather3A_344, %gather3A_345 : vector<16xf32>
      tpu.vector_store_idx %arg12[%add3A_302, %broadcast_in_dim3A_343], %sub3A_346 : memref<512x64xf32, #tpu.memory_space<vmem>>[vector<16xi32>, vector<16xi32>], vector<16xf32>,
      %broadcast_in_dim3A_347 = arith.constant 8 : i32
      %broadcast_in_dim3A_348 = vector.broadcast %broadcast_in_dim3A_347 : i32 to vector<16xi32>
      %gather3A_349 = tpu.vector_load_idx %arg10[%add3A_302, %broadcast_in_dim3A_348] : memref<512x64xf32, #tpu.memory_space<vmem>>[vector<16xi32>, vector<16xi32>], vector<16xf32>,
      %gather3A_350 = tpu.vector_load_idx %arg11[%add3A_302, %broadcast_in_dim3A_348] : memref<512x64xf32, #tpu.memory_space<vmem>>[vector<16xi32>, vector<16xi32>], vector<16xf32>,
      %sub3A_351 = arith.subf %gather3A_349, %gather3A_350 : vector<16xf32>
      tpu.vector_store_idx %arg12[%add3A_302, %broadcast_in_dim3A_348], %sub3A_351 : memref<512x64xf32, #tpu.memory_space<vmem>>[vector<16xi32>, vector<16xi32>], vector<16xf32>,
      %broadcast_in_dim3A_352 = arith.constant 9 : i32
      %broadcast_in_dim3A_353 = vector.broadcast %broadcast_in_dim3A_352 : i32 to vector<16xi32>
      %gather3A_354 = tpu.vector_load_idx %arg10[%add3A_302, %broadcast_in_dim3A_353] : memref<512x64xf32, #tpu.memory_space<vmem>>[vector<16xi32>, vector<16xi32>], vector<16xf32>,
      %gather3A_355 = tpu.vector_load_idx %arg11[%add3A_302, %broadcast_in_dim3A_353] : memref<512x64xf32, #tpu.memory_space<vmem>>[vector<16xi32>, vector<16xi32>], vector<16xf32>,
      %sub3A_356 = arith.subf %gather3A_354, %gather3A_355 : vector<16xf32>
      tpu.vector_store_idx %arg12[%add3A_302, %broadcast_in_dim3A_353], %sub3A_356 : memref<512x64xf32, #tpu.memory_space<vmem>>[vector<16xi32>, vector<16xi32>], vector<16xf32>,
      %broadcast_in_dim3A_357 = arith.constant 10 : i32
      %broadcast_in_dim3A_358 = vector.broadcast %broadcast_in_dim3A_357 : i32 to vector<16xi32>
      %gather3A_359 = tpu.vector_load_idx %arg10[%add3A_302, %broadcast_in_dim3A_358] : memref<512x64xf32, #tpu.memory_space<vmem>>[vector<16xi32>, vector<16xi32>], vector<16xf32>,
      %gather3A_360 = tpu.vector_load_idx %arg11[%add3A_302, %broadcast_in_dim3A_358] : memref<512x64xf32, #tpu.memory_space<vmem>>[vector<16xi32>, vector<16xi32>], vector<16xf32>,
      %sub3A_361 = arith.subf %gather3A_359, %gather3A_360 : vector<16xf32>
      tpu.vector_store_idx %arg12[%add3A_302, %broadcast_in_dim3A_358], %sub3A_361 : memref<512x64xf32, #tpu.memory_space<vmem>>[vector<16xi32>, vector<16xi32>], vector<16xf32>,
      %broadcast_in_dim3A_362 = arith.constant 11 : i32
      %broadcast_in_dim3A_363 = vector.broadcast %broadcast_in_dim3A_362 : i32 to vector<16xi32>
      %gather3A_364 = tpu.vector_load_idx %arg10[%add3A_302, %broadcast_in_dim3A_363] : memref<512x64xf32, #tpu.memory_space<vmem>>[vector<16xi32>, vector<16xi32>], vector<16xf32>,
      %gather3A_365 = tpu.vector_load_idx %arg11[%add3A_302, %broadcast_in_dim3A_363] : memref<512x64xf32, #tpu.memory_space<vmem>>[vector<16xi32>, vector<16xi32>], vector<16xf32>,
      %sub3A_366 = arith.subf %gather3A_364, %gather3A_365 : vector<16xf32>
      tpu.vector_store_idx %arg12[%add3A_302, %broadcast_in_dim3A_363], %sub3A_366 : memref<512x64xf32, #tpu.memory_space<vmem>>[vector<16xi32>, vector<16xi32>], vector<16xf32>,
      %broadcast_in_dim3A_367 = arith.constant 12 : i32
      %broadcast_in_dim3A_368 = vector.broadcast %broadcast_in_dim3A_367 : i32 to vector<16xi32>
      %gather3A_369 = tpu.vector_load_idx %arg10[%add3A_302, %broadcast_in_dim3A_368] : memref<512x64xf32, #tpu.memory_space<vmem>>[vector<16xi32>, vector<16xi32>], vector<16xf32>,
      %gather3A_370 = tpu.vector_load_idx %arg11[%add3A_302, %broadcast_in_dim3A_368] : memref<512x64xf32, #tpu.memory_space<vmem>>[vector<16xi32>, vector<16xi32>], vector<16xf32>,
      %sub3A_371 = arith.subf %gather3A_369, %gather3A_370 : vector<16xf32>
      tpu.vector_store_idx %arg12[%add3A_302, %broadcast_in_dim3A_368], %sub3A_371 : memref<512x64xf32, #tpu.memory_space<vmem>>[vector<16xi32>, vector<16xi32>], vector<16xf32>,
      %broadcast_in_dim3A_372 = arith.constant 13 : i32
      %broadcast_in_dim3A_373 = vector.broadcast %broadcast_in_dim3A_372 : i32 to vector<16xi32>
      %gather3A_374 = tpu.vector_load_idx %arg10[%add3A_302, %broadcast_in_dim3A_373] : memref<512x64xf32, #tpu.memory_space<vmem>>[vector<16xi32>, vector<16xi32>], vector<16xf32>,
      %gather3A_375 = tpu.vector_load_idx %arg11[%add3A_302, %broadcast_in_dim3A_373] : memref<512x64xf32, #tpu.memory_space<vmem>>[vector<16xi32>, vector<16xi32>], vector<16xf32>,
      %sub3A_376 = arith.subf %gather3A_374, %gather3A_375 : vector<16xf32>
      tpu.vector_store_idx %arg12[%add3A_302, %broadcast_in_dim3A_373], %sub3A_376 : memref<512x64xf32, #tpu.memory_space<vmem>>[vector<16xi32>, vector<16xi32>], vector<16xf32>,
      %broadcast_in_dim3A_377 = arith.constant 14 : i32
      %broadcast_in_dim3A_378 = vector.broadcast %broadcast_in_dim3A_377 : i32 to vector<16xi32>
      %gather3A_379 = tpu.vector_load_idx %arg10[%add3A_302, %broadcast_in_dim3A_378] : memref<512x64xf32, #tpu.memory_space<vmem>>[vector<16xi32>, vector<16xi32>], vector<16xf32>,
      %gather3A_380 = tpu.vector_load_idx %arg11[%add3A_302, %broadcast_in_dim3A_378] : memref<512x64xf32, #tpu.memory_space<vmem>>[vector<16xi32>, vector<16xi32>], vector<16xf32>,
      %sub3A_381 = arith.subf %gather3A_379, %gather3A_380 : vector<16xf32>
      tpu.vector_store_idx %arg12[%add3A_302, %broadcast_in_dim3A_378], %sub3A_381 : memref<512x64xf32, #tpu.memory_space<vmem>>[vector<16xi32>, vector<16xi32>], vector<16xf32>,
      %broadcast_in_dim3A_382 = arith.constant 15 : i32
      %broadcast_in_dim3A_383 = vector.broadcast %broadcast_in_dim3A_382 : i32 to vector<16xi32>
      %gather3A_384 = tpu.vector_load_idx %arg10[%add3A_302, %broadcast_in_dim3A_383] : memref<512x64xf32, #tpu.memory_space<vmem>>[vector<16xi32>, vector<16xi32>], vector<16xf32>,
      %gather3A_385 = tpu.vector_load_idx %arg11[%add3A_302, %broadcast_in_dim3A_383] : memref<512x64xf32, #tpu.memory_space<vmem>>[vector<16xi32>, vector<16xi32>], vector<16xf32>,
      %sub3A_386 = arith.subf %gather3A_384, %gather3A_385 : vector<16xf32>
      tpu.vector_store_idx %arg12[%add3A_302, %broadcast_in_dim3A_383], %sub3A_386 : memref<512x64xf32, #tpu.memory_space<vmem>>[vector<16xi32>, vector<16xi32>], vector<16xf32>,
      %broadcast_in_dim3A_387 = arith.constant 16 : i32
      %broadcast_in_dim3A_388 = vector.broadcast %broadcast_in_dim3A_387 : i32 to vector<16xi32>
      %gather3A_389 = tpu.vector_load_idx %arg10[%add3A_302, %broadcast_in_dim3A_388] : memref<512x64xf32, #tpu.memory_space<vmem>>[vector<16xi32>, vector<16xi32>], vector<16xf32>,
      %gather3A_390 = tpu.vector_load_idx %arg11[%add3A_302, %broadcast_in_dim3A_388] : memref<512x64xf32, #tpu.memory_space<vmem>>[vector<16xi32>, vector<16xi32>], vector<16xf32>,
      %sub3A_391 = arith.subf %gather3A_389, %gather3A_390 : vector<16xf32>
      tpu.vector_store_idx %arg12[%add3A_302, %broadcast_in_dim3A_388], %sub3A_391 : memref<512x64xf32, #tpu.memory_space<vmem>>[vector<16xi32>, vector<16xi32>], vector<16xf32>,
      %broadcast_in_dim3A_392 = arith.constant 17 : i32
      %broadcast_in_dim3A_393 = vector.broadcast %broadcast_in_dim3A_392 : i32 to vector<16xi32>
      %gather3A_394 = tpu.vector_load_idx %arg10[%add3A_302, %broadcast_in_dim3A_393] : memref<512x64xf32, #tpu.memory_space<vmem>>[vector<16xi32>, vector<16xi32>], vector<16xf32>,
      %gather3A_395 = tpu.vector_load_idx %arg11[%add3A_302, %broadcast_in_dim3A_393] : memref<512x64xf32, #tpu.memory_space<vmem>>[vector<16xi32>, vector<16xi32>], vector<16xf32>,
      %sub3A_396 = arith.subf %gather3A_394, %gather3A_395 : vector<16xf32>
      tpu.vector_store_idx %arg12[%add3A_302, %broadcast_in_dim3A_393], %sub3A_396 : memref<512x64xf32, #tpu.memory_space<vmem>>[vector<16xi32>, vector<16xi32>], vector<16xf32>,
      %broadcast_in_dim3A_397 = arith.constant 18 : i32
      %broadcast_in_dim3A_398 = vector.broadcast %broadcast_in_dim3A_397 : i32 to vector<16xi32>
      %gather3A_399 = tpu.vector_load_idx %arg10[%add3A_302, %broadcast_in_dim3A_398] : memref<512x64xf32, #tpu.memory_space<vmem>>[vector<16xi32>, vector<16xi32>], vector<16xf32>,
      %gather3A_400 = tpu.vector_load_idx %arg11[%add3A_302, %broadcast_in_dim3A_398] : memref<512x64xf32, #tpu.memory_space<vmem>>[vector<16xi32>, vector<16xi32>], vector<16xf32>,
      %sub3A_401 = arith.subf %gather3A_399, %gather3A_400 : vector<16xf32>
      tpu.vector_store_idx %arg12[%add3A_302, %broadcast_in_dim3A_398], %sub3A_401 : memref<512x64xf32, #tpu.memory_space<vmem>>[vector<16xi32>, vector<16xi32>], vector<16xf32>,
      %broadcast_in_dim3A_402 = arith.constant 19 : i32
      %broadcast_in_dim3A_403 = vector.broadcast %broadcast_in_dim3A_402 : i32 to vector<16xi32>
      %gather3A_404 = tpu.vector_load_idx %arg10[%add3A_302, %broadcast_in_dim3A_403] : memref<512x64xf32, #tpu.memory_space<vmem>>[vector<16xi32>, vector<16xi32>], vector<16xf32>,
      %gather3A_405 = tpu.vector_load_idx %arg11[%add3A_302, %broadcast_in_dim3A_403] : memref<512x64xf32, #tpu.memory_space<vmem>>[vector<16xi32>, vector<16xi32>], vector<16xf32>,
      %sub3A_406 = arith.subf %gather3A_404, %gather3A_405 : vector<16xf32>
      tpu.vector_store_idx %arg12[%add3A_302, %broadcast_in_dim3A_403], %sub3A_406 : memref<512x64xf32, #tpu.memory_space<vmem>>[vector<16xi32>, vector<16xi32>], vector<16xf32>,
      %broadcast_in_dim3A_407 = arith.constant 20 : i32
      %broadcast_in_dim3A_408 = vector.broadcast %broadcast_in_dim3A_407 : i32 to vector<16xi32>
      %gather3A_409 = tpu.vector_load_idx %arg10[%add3A_302, %broadcast_in_dim3A_408] : memref<512x64xf32, #tpu.memory_space<vmem>>[vector<16xi32>, vector<16xi32>], vector<16xf32>,
      %gather3A_410 = tpu.vector_load_idx %arg11[%add3A_302, %broadcast_in_dim3A_408] : memref<512x64xf32, #tpu.memory_space<vmem>>[vector<16xi32>, vector<16xi32>], vector<16xf32>,
      %sub3A_411 = arith.subf %gather3A_409, %gather3A_410 : vector<16xf32>
      tpu.vector_store_idx %arg12[%add3A_302, %broadcast_in_dim3A_408], %sub3A_411 : memref<512x64xf32, #tpu.memory_space<vmem>>[vector<16xi32>, vector<16xi32>], vector<16xf32>,
      %broadcast_in_dim3A_412 = arith.constant 21 : i32
      %broadcast_in_dim3A_413 = vector.broadcast %broadcast_in_dim3A_412 : i32 to vector<16xi32>
      %gather3A_414 = tpu.vector_load_idx %arg10[%add3A_302, %broadcast_in_dim3A_413] : memref<512x64xf32, #tpu.memory_space<vmem>>[vector<16xi32>, vector<16xi32>], vector<16xf32>,
      %gather3A_415 = tpu.vector_load_idx %arg11[%add3A_302, %broadcast_in_dim3A_413] : memref<512x64xf32, #tpu.memory_space<vmem>>[vector<16xi32>, vector<16xi32>], vector<16xf32>,
      %sub3A_416 = arith.subf %gather3A_414, %gather3A_415 : vector<16xf32>
      tpu.vector_store_idx %arg12[%add3A_302, %broadcast_in_dim3A_413], %sub3A_416 : memref<512x64xf32, #tpu.memory_space<vmem>>[vector<16xi32>, vector<16xi32>], vector<16xf32>,
      %broadcast_in_dim3A_417 = arith.constant 22 : i32
      %broadcast_in_dim3A_418 = vector.broadcast %broadcast_in_dim3A_417 : i32 to vector<16xi32>
      %gather3A_419 = tpu.vector_load_idx %arg10[%add3A_302, %broadcast_in_dim3A_418] : memref<512x64xf32, #tpu.memory_space<vmem>>[vector<16xi32>, vector<16xi32>], vector<16xf32>,
      %gather3A_420 = tpu.vector_load_idx %arg11[%add3A_302, %broadcast_in_dim3A_418] : memref<512x64xf32, #tpu.memory_space<vmem>>[vector<16xi32>, vector<16xi32>], vector<16xf32>,
      %sub3A_421 = arith.subf %gather3A_419, %gather3A_420 : vector<16xf32>
      tpu.vector_store_idx %arg12[%add3A_302, %broadcast_in_dim3A_418], %sub3A_421 : memref<512x64xf32, #tpu.memory_space<vmem>>[vector<16xi32>, vector<16xi32>], vector<16xf32>,
      %broadcast_in_dim3A_422 = arith.constant 23 : i32
      %broadcast_in_dim3A_423 = vector.broadcast %broadcast_in_dim3A_422 : i32 to vector<16xi32>
      %gather3A_424 = tpu.vector_load_idx %arg10[%add3A_302, %broadcast_in_dim3A_423] : memref<512x64xf32, #tpu.memory_space<vmem>>[vector<16xi32>, vector<16xi32>], vector<16xf32>,
      %gather3A_425 = tpu.vector_load_idx %arg11[%add3A_302, %broadcast_in_dim3A_423] : memref<512x64xf32, #tpu.memory_space<vmem>>[vector<16xi32>, vector<16xi32>], vector<16xf32>,
      %sub3A_426 = arith.subf %gather3A_424, %gather3A_425 : vector<16xf32>
      tpu.vector_store_idx %arg12[%add3A_302, %broadcast_in_dim3A_423], %sub3A_426 : memref<512x64xf32, #tpu.memory_space<vmem>>[vector<16xi32>, vector<16xi32>], vector<16xf32>,
      %broadcast_in_dim3A_427 = arith.constant 24 : i32
      %broadcast_in_dim3A_428 = vector.broadcast %broadcast_in_dim3A_427 : i32 to vector<16xi32>
      %gather3A_429 = tpu.vector_load_idx %arg10[%add3A_302, %broadcast_in_dim3A_428] : memref<512x64xf32, #tpu.memory_space<vmem>>[vector<16xi32>, vector<16xi32>], vector<16xf32>,
      %gather3A_430 = tpu.vector_load_idx %arg11[%add3A_302, %broadcast_in_dim3A_428] : memref<512x64xf32, #tpu.memory_space<vmem>>[vector<16xi32>, vector<16xi32>], vector<16xf32>,
      %sub3A_431 = arith.subf %gather3A_429, %gather3A_430 : vector<16xf32>
      tpu.vector_store_idx %arg12[%add3A_302, %broadcast_in_dim3A_428], %sub3A_431 : memref<512x64xf32, #tpu.memory_space<vmem>>[vector<16xi32>, vector<16xi32>], vector<16xf32>,
      %broadcast_in_dim3A_432 = arith.constant 25 : i32
      %broadcast_in_dim3A_433 = vector.broadcast %broadcast_in_dim3A_432 : i32 to vector<16xi32>
      %gather3A_434 = tpu.vector_load_idx %arg10[%add3A_302, %broadcast_in_dim3A_433] : memref<512x64xf32, #tpu.memory_space<vmem>>[vector<16xi32>, vector<16xi32>], vector<16xf32>,
      %gather3A_435 = tpu.vector_load_idx %arg11[%add3A_302, %broadcast_in_dim3A_433] : memref<512x64xf32, #tpu.memory_space<vmem>>[vector<16xi32>, vector<16xi32>], vector<16xf32>,
      %sub3A_436 = arith.subf %gather3A_434, %gather3A_435 : vector<16xf32>
      tpu.vector_store_idx %arg12[%add3A_302, %broadcast_in_dim3A_433], %sub3A_436 : memref<512x64xf32, #tpu.memory_space<vmem>>[vector<16xi32>, vector<16xi32>], vector<16xf32>,
      %broadcast_in_dim3A_437 = arith.constant 26 : i32
      %broadcast_in_dim3A_438 = vector.broadcast %broadcast_in_dim3A_437 : i32 to vector<16xi32>
      %gather3A_439 = tpu.vector_load_idx %arg10[%add3A_302, %broadcast_in_dim3A_438] : memref<512x64xf32, #tpu.memory_space<vmem>>[vector<16xi32>, vector<16xi32>], vector<16xf32>,
      %gather3A_440 = tpu.vector_load_idx %arg11[%add3A_302, %broadcast_in_dim3A_438] : memref<512x64xf32, #tpu.memory_space<vmem>>[vector<16xi32>, vector<16xi32>], vector<16xf32>,
      %sub3A_441 = arith.subf %gather3A_439, %gather3A_440 : vector<16xf32>
      tpu.vector_store_idx %arg12[%add3A_302, %broadcast_in_dim3A_438], %sub3A_441 : memref<512x64xf32, #tpu.memory_space<vmem>>[vector<16xi32>, vector<16xi32>], vector<16xf32>,
      %broadcast_in_dim3A_442 = arith.constant 27 : i32
      %broadcast_in_dim3A_443 = vector.broadcast %broadcast_in_dim3A_442 : i32 to vector<16xi32>
      %gather3A_444 = tpu.vector_load_idx %arg10[%add3A_302, %broadcast_in_dim3A_443] : memref<512x64xf32, #tpu.memory_space<vmem>>[vector<16xi32>, vector<16xi32>], vector<16xf32>,
      %gather3A_445 = tpu.vector_load_idx %arg11[%add3A_302, %broadcast_in_dim3A_443] : memref<512x64xf32, #tpu.memory_space<vmem>>[vector<16xi32>, vector<16xi32>], vector<16xf32>,
      %sub3A_446 = arith.subf %gather3A_444, %gather3A_445 : vector<16xf32>
      tpu.vector_store_idx %arg12[%add3A_302, %broadcast_in_dim3A_443], %sub3A_446 : memref<512x64xf32, #tpu.memory_space<vmem>>[vector<16xi32>, vector<16xi32>], vector<16xf32>,
      %broadcast_in_dim3A_447 = arith.constant 28 : i32
      %broadcast_in_dim3A_448 = vector.broadcast %broadcast_in_dim3A_447 : i32 to vector<16xi32>
      %gather3A_449 = tpu.vector_load_idx %arg10[%add3A_302, %broadcast_in_dim3A_448] : memref<512x64xf32, #tpu.memory_space<vmem>>[vector<16xi32>, vector<16xi32>], vector<16xf32>,
      %gather3A_450 = tpu.vector_load_idx %arg11[%add3A_302, %broadcast_in_dim3A_448] : memref<512x64xf32, #tpu.memory_space<vmem>>[vector<16xi32>, vector<16xi32>], vector<16xf32>,
      %sub3A_451 = arith.subf %gather3A_449, %gather3A_450 : vector<16xf32>
      tpu.vector_store_idx %arg12[%add3A_302, %broadcast_in_dim3A_448], %sub3A_451 : memref<512x64xf32, #tpu.memory_space<vmem>>[vector<16xi32>, vector<16xi32>], vector<16xf32>,
      %broadcast_in_dim3A_452 = arith.constant 29 : i32
      %broadcast_in_dim3A_453 = vector.broadcast %broadcast_in_dim3A_452 : i32 to vector<16xi32>
      %gather3A_454 = tpu.vector_load_idx %arg10[%add3A_302, %broadcast_in_dim3A_453] : memref<512x64xf32, #tpu.memory_space<vmem>>[vector<16xi32>, vector<16xi32>], vector<16xf32>,
      %gather3A_455 = tpu.vector_load_idx %arg11[%add3A_302, %broadcast_in_dim3A_453] : memref<512x64xf32, #tpu.memory_space<vmem>>[vector<16xi32>, vector<16xi32>], vector<16xf32>,
      %sub3A_456 = arith.subf %gather3A_454, %gather3A_455 : vector<16xf32>
      tpu.vector_store_idx %arg12[%add3A_302, %broadcast_in_dim3A_453], %sub3A_456 : memref<512x64xf32, #tpu.memory_space<vmem>>[vector<16xi32>, vector<16xi32>], vector<16xf32>,
      %broadcast_in_dim3A_457 = arith.constant 30 : i32
      %broadcast_in_dim3A_458 = vector.broadcast %broadcast_in_dim3A_457 : i32 to vector<16xi32>
      %gather3A_459 = tpu.vector_load_idx %arg10[%add3A_302, %broadcast_in_dim3A_458] : memref<512x64xf32, #tpu.memory_space<vmem>>[vector<16xi32>, vector<16xi32>], vector<16xf32>,
      %gather3A_460 = tpu.vector_load_idx %arg11[%add3A_302, %broadcast_in_dim3A_458] : memref<512x64xf32, #tpu.memory_space<vmem>>[vector<16xi32>, vector<16xi32>], vector<16xf32>,
      %sub3A_461 = arith.subf %gather3A_459, %gather3A_460 : vector<16xf32>
      tpu.vector_store_idx %arg12[%add3A_302, %broadcast_in_dim3A_458], %sub3A_461 : memref<512x64xf32, #tpu.memory_space<vmem>>[vector<16xi32>, vector<16xi32>], vector<16xf32>,
      %broadcast_in_dim3A_462 = arith.constant 31 : i32
      %broadcast_in_dim3A_463 = vector.broadcast %broadcast_in_dim3A_462 : i32 to vector<16xi32>
      %gather3A_464 = tpu.vector_load_idx %arg10[%add3A_302, %broadcast_in_dim3A_463] : memref<512x64xf32, #tpu.memory_space<vmem>>[vector<16xi32>, vector<16xi32>], vector<16xf32>,
      %gather3A_465 = tpu.vector_load_idx %arg11[%add3A_302, %broadcast_in_dim3A_463] : memref<512x64xf32, #tpu.memory_space<vmem>>[vector<16xi32>, vector<16xi32>], vector<16xf32>,
      %sub3A_466 = arith.subf %gather3A_464, %gather3A_465 : vector<16xf32>
      tpu.vector_store_idx %arg12[%add3A_302, %broadcast_in_dim3A_463], %sub3A_466 : memref<512x64xf32, #tpu.memory_space<vmem>>[vector<16xi32>, vector<16xi32>], vector<16xf32>,
      %broadcast_in_dim3A_467 = arith.constant 32 : i32
      %broadcast_in_dim3A_468 = vector.broadcast %broadcast_in_dim3A_467 : i32 to vector<16xi32>
      %gather3A_469 = tpu.vector_load_idx %arg10[%add3A_302, %broadcast_in_dim3A_468] : memref<512x64xf32, #tpu.memory_space<vmem>>[vector<16xi32>, vector<16xi32>], vector<16xf32>,
      %gather3A_470 = tpu.vector_load_idx %arg11[%add3A_302, %broadcast_in_dim3A_468] : memref<512x64xf32, #tpu.memory_space<vmem>>[vector<16xi32>, vector<16xi32>], vector<16xf32>,
      %sub3A_471 = arith.subf %gather3A_469, %gather3A_470 : vector<16xf32>
      tpu.vector_store_idx %arg12[%add3A_302, %broadcast_in_dim3A_468], %sub3A_471 : memref<512x64xf32, #tpu.memory_space<vmem>>[vector<16xi32>, vector<16xi32>], vector<16xf32>,
      %broadcast_in_dim3A_472 = arith.constant 33 : i32
      %broadcast_in_dim3A_473 = vector.broadcast %broadcast_in_dim3A_472 : i32 to vector<16xi32>
      %gather3A_474 = tpu.vector_load_idx %arg10[%add3A_302, %broadcast_in_dim3A_473] : memref<512x64xf32, #tpu.memory_space<vmem>>[vector<16xi32>, vector<16xi32>], vector<16xf32>,
      %gather3A_475 = tpu.vector_load_idx %arg11[%add3A_302, %broadcast_in_dim3A_473] : memref<512x64xf32, #tpu.memory_space<vmem>>[vector<16xi32>, vector<16xi32>], vector<16xf32>,
      %sub3A_476 = arith.subf %gather3A_474, %gather3A_475 : vector<16xf32>
      tpu.vector_store_idx %arg12[%add3A_302, %broadcast_in_dim3A_473], %sub3A_476 : memref<512x64xf32, #tpu.memory_space<vmem>>[vector<16xi32>, vector<16xi32>], vector<16xf32>,
      %broadcast_in_dim3A_477 = arith.constant 34 : i32
      %broadcast_in_dim3A_478 = vector.broadcast %broadcast_in_dim3A_477 : i32 to vector<16xi32>
      %gather3A_479 = tpu.vector_load_idx %arg10[%add3A_302, %broadcast_in_dim3A_478] : memref<512x64xf32, #tpu.memory_space<vmem>>[vector<16xi32>, vector<16xi32>], vector<16xf32>,
      %gather3A_480 = tpu.vector_load_idx %arg11[%add3A_302, %broadcast_in_dim3A_478] : memref<512x64xf32, #tpu.memory_space<vmem>>[vector<16xi32>, vector<16xi32>], vector<16xf32>,
      %sub3A_481 = arith.subf %gather3A_479, %gather3A_480 : vector<16xf32>
      tpu.vector_store_idx %arg12[%add3A_302, %broadcast_in_dim3A_478], %sub3A_481 : memref<512x64xf32, #tpu.memory_space<vmem>>[vector<16xi32>, vector<16xi32>], vector<16xf32>,
      %broadcast_in_dim3A_482 = arith.constant 35 : i32
      %broadcast_in_dim3A_483 = vector.broadcast %broadcast_in_dim3A_482 : i32 to vector<16xi32>
      %gather3A_484 = tpu.vector_load_idx %arg10[%add3A_302, %broadcast_in_dim3A_483] : memref<512x64xf32, #tpu.memory_space<vmem>>[vector<16xi32>, vector<16xi32>], vector<16xf32>,
      %gather3A_485 = tpu.vector_load_idx %arg11[%add3A_302, %broadcast_in_dim3A_483] : memref<512x64xf32, #tpu.memory_space<vmem>>[vector<16xi32>, vector<16xi32>], vector<16xf32>,
      %sub3A_486 = arith.subf %gather3A_484, %gather3A_485 : vector<16xf32>
      tpu.vector_store_idx %arg12[%add3A_302, %broadcast_in_dim3A_483], %sub3A_486 : memref<512x64xf32, #tpu.memory_space<vmem>>[vector<16xi32>, vector<16xi32>], vector<16xf32>,
      %broadcast_in_dim3A_487 = arith.constant 36 : i32
      %broadcast_in_dim3A_488 = vector.broadcast %broadcast_in_dim3A_487 : i32 to vector<16xi32>
      %gather3A_489 = tpu.vector_load_idx %arg10[%add3A_302, %broadcast_in_dim3A_488] : memref<512x64xf32, #tpu.memory_space<vmem>>[vector<16xi32>, vector<16xi32>], vector<16xf32>,
      %gather3A_490 = tpu.vector_load_idx %arg11[%add3A_302, %broadcast_in_dim3A_488] : memref<512x64xf32, #tpu.memory_space<vmem>>[vector<16xi32>, vector<16xi32>], vector<16xf32>,
      %sub3A_491 = arith.subf %gather3A_489, %gather3A_490 : vector<16xf32>
      tpu.vector_store_idx %arg12[%add3A_302, %broadcast_in_dim3A_488], %sub3A_491 : memref<512x64xf32, #tpu.memory_space<vmem>>[vector<16xi32>, vector<16xi32>], vector<16xf32>,
      %broadcast_in_dim3A_492 = arith.constant 37 : i32
      %broadcast_in_dim3A_493 = vector.broadcast %broadcast_in_dim3A_492 : i32 to vector<16xi32>
      %gather3A_494 = tpu.vector_load_idx %arg10[%add3A_302, %broadcast_in_dim3A_493] : memref<512x64xf32, #tpu.memory_space<vmem>>[vector<16xi32>, vector<16xi32>], vector<16xf32>,
      %gather3A_495 = tpu.vector_load_idx %arg11[%add3A_302, %broadcast_in_dim3A_493] : memref<512x64xf32, #tpu.memory_space<vmem>>[vector<16xi32>, vector<16xi32>], vector<16xf32>,
      %sub3A_496 = arith.subf %gather3A_494, %gather3A_495 : vector<16xf32>
      tpu.vector_store_idx %arg12[%add3A_302, %broadcast_in_dim3A_493], %sub3A_496 : memref<512x64xf32, #tpu.memory_space<vmem>>[vector<16xi32>, vector<16xi32>], vector<16xf32>,
      %broadcast_in_dim3A_497 = arith.constant 38 : i32
      %broadcast_in_dim3A_498 = vector.broadcast %broadcast_in_dim3A_497 : i32 to vector<16xi32>
      %gather3A_499 = tpu.vector_load_idx %arg10[%add3A_302, %broadcast_in_dim3A_498] : memref<512x64xf32, #tpu.memory_space<vmem>>[vector<16xi32>, vector<16xi32>], vector<16xf32>,
      %gather3A_500 = tpu.vector_load_idx %arg11[%add3A_302, %broadcast_in_dim3A_498] : memref<512x64xf32, #tpu.memory_space<vmem>>[vector<16xi32>, vector<16xi32>], vector<16xf32>,
      %sub3A_501 = arith.subf %gather3A_499, %gather3A_500 : vector<16xf32>
      tpu.vector_store_idx %arg12[%add3A_302, %broadcast_in_dim3A_498], %sub3A_501 : memref<512x64xf32, #tpu.memory_space<vmem>>[vector<16xi32>, vector<16xi32>], vector<16xf32>,
      %broadcast_in_dim3A_502 = arith.constant 39 : i32
      %broadcast_in_dim3A_503 = vector.broadcast %broadcast_in_dim3A_502 : i32 to vector<16xi32>
      %gather3A_504 = tpu.vector_load_idx %arg10[%add3A_302, %broadcast_in_dim3A_503] : memref<512x64xf32, #tpu.memory_space<vmem>>[vector<16xi32>, vector<16xi32>], vector<16xf32>,
      %gather3A_505 = tpu.vector_load_idx %arg11[%add3A_302, %broadcast_in_dim3A_503] : memref<512x64xf32, #tpu.memory_space<vmem>>[vector<16xi32>, vector<16xi32>], vector<16xf32>,
      %sub3A_506 = arith.subf %gather3A_504, %gather3A_505 : vector<16xf32>
      tpu.vector_store_idx %arg12[%add3A_302, %broadcast_in_dim3A_503], %sub3A_506 : memref<512x64xf32, #tpu.memory_space<vmem>>[vector<16xi32>, vector<16xi32>], vector<16xf32>,
      %broadcast_in_dim3A_507 = arith.constant 40 : i32
      %broadcast_in_dim3A_508 = vector.broadcast %broadcast_in_dim3A_507 : i32 to vector<16xi32>
      %gather3A_509 = tpu.vector_load_idx %arg10[%add3A_302, %broadcast_in_dim3A_508] : memref<512x64xf32, #tpu.memory_space<vmem>>[vector<16xi32>, vector<16xi32>], vector<16xf32>,
      %gather3A_510 = tpu.vector_load_idx %arg11[%add3A_302, %broadcast_in_dim3A_508] : memref<512x64xf32, #tpu.memory_space<vmem>>[vector<16xi32>, vector<16xi32>], vector<16xf32>,
      %sub3A_511 = arith.subf %gather3A_509, %gather3A_510 : vector<16xf32>
      tpu.vector_store_idx %arg12[%add3A_302, %broadcast_in_dim3A_508], %sub3A_511 : memref<512x64xf32, #tpu.memory_space<vmem>>[vector<16xi32>, vector<16xi32>], vector<16xf32>,
      %broadcast_in_dim3A_512 = arith.constant 41 : i32
      %broadcast_in_dim3A_513 = vector.broadcast %broadcast_in_dim3A_512 : i32 to vector<16xi32>
      %gather3A_514 = tpu.vector_load_idx %arg10[%add3A_302, %broadcast_in_dim3A_513] : memref<512x64xf32, #tpu.memory_space<vmem>>[vector<16xi32>, vector<16xi32>], vector<16xf32>,
      %gather3A_515 = tpu.vector_load_idx %arg11[%add3A_302, %broadcast_in_dim3A_513] : memref<512x64xf32, #tpu.memory_space<vmem>>[vector<16xi32>, vector<16xi32>], vector<16xf32>,
      %sub3A_516 = arith.subf %gather3A_514, %gather3A_515 : vector<16xf32>
      tpu.vector_store_idx %arg12[%add3A_302, %broadcast_in_dim3A_513], %sub3A_516 : memref<512x64xf32, #tpu.memory_space<vmem>>[vector<16xi32>, vector<16xi32>], vector<16xf32>,
      %broadcast_in_dim3A_517 = arith.constant 42 : i32
      %broadcast_in_dim3A_518 = vector.broadcast %broadcast_in_dim3A_517 : i32 to vector<16xi32>
      %gather3A_519 = tpu.vector_load_idx %arg10[%add3A_302, %broadcast_in_dim3A_518] : memref<512x64xf32, #tpu.memory_space<vmem>>[vector<16xi32>, vector<16xi32>], vector<16xf32>,
      %gather3A_520 = tpu.vector_load_idx %arg11[%add3A_302, %broadcast_in_dim3A_518] : memref<512x64xf32, #tpu.memory_space<vmem>>[vector<16xi32>, vector<16xi32>], vector<16xf32>,
      %sub3A_521 = arith.subf %gather3A_519, %gather3A_520 : vector<16xf32>
      tpu.vector_store_idx %arg12[%add3A_302, %broadcast_in_dim3A_518], %sub3A_521 : memref<512x64xf32, #tpu.memory_space<vmem>>[vector<16xi32>, vector<16xi32>], vector<16xf32>,
      %broadcast_in_dim3A_522 = arith.constant 43 : i32
      %broadcast_in_dim3A_523 = vector.broadcast %broadcast_in_dim3A_522 : i32 to vector<16xi32>
      %gather3A_524 = tpu.vector_load_idx %arg10[%add3A_302, %broadcast_in_dim3A_523] : memref<512x64xf32, #tpu.memory_space<vmem>>[vector<16xi32>, vector<16xi32>], vector<16xf32>,
      %gather3A_525 = tpu.vector_load_idx %arg11[%add3A_302, %broadcast_in_dim3A_523] : memref<512x64xf32, #tpu.memory_space<vmem>>[vector<16xi32>, vector<16xi32>], vector<16xf32>,
      %sub3A_526 = arith.subf %gather3A_524, %gather3A_525 : vector<16xf32>
      tpu.vector_store_idx %arg12[%add3A_302, %broadcast_in_dim3A_523], %sub3A_526 : memref<512x64xf32, #tpu.memory_space<vmem>>[vector<16xi32>, vector<16xi32>], vector<16xf32>,
      %broadcast_in_dim3A_527 = arith.constant 44 : i32
      %broadcast_in_dim3A_528 = vector.broadcast %broadcast_in_dim3A_527 : i32 to vector<16xi32>
      %gather3A_529 = tpu.vector_load_idx %arg10[%add3A_302, %broadcast_in_dim3A_528] : memref<512x64xf32, #tpu.memory_space<vmem>>[vector<16xi32>, vector<16xi32>], vector<16xf32>,
      %gather3A_530 = tpu.vector_load_idx %arg11[%add3A_302, %broadcast_in_dim3A_528] : memref<512x64xf32, #tpu.memory_space<vmem>>[vector<16xi32>, vector<16xi32>], vector<16xf32>,
      %sub3A_531 = arith.subf %gather3A_529, %gather3A_530 : vector<16xf32>
      tpu.vector_store_idx %arg12[%add3A_302, %broadcast_in_dim3A_528], %sub3A_531 : memref<512x64xf32, #tpu.memory_space<vmem>>[vector<16xi32>, vector<16xi32>], vector<16xf32>,
      %broadcast_in_dim3A_532 = arith.constant 45 : i32
      %broadcast_in_dim3A_533 = vector.broadcast %broadcast_in_dim3A_532 : i32 to vector<16xi32>
      %gather3A_534 = tpu.vector_load_idx %arg10[%add3A_302, %broadcast_in_dim3A_533] : memref<512x64xf32, #tpu.memory_space<vmem>>[vector<16xi32>, vector<16xi32>], vector<16xf32>,
      %gather3A_535 = tpu.vector_load_idx %arg11[%add3A_302, %broadcast_in_dim3A_533] : memref<512x64xf32, #tpu.memory_space<vmem>>[vector<16xi32>, vector<16xi32>], vector<16xf32>,
      %sub3A_536 = arith.subf %gather3A_534, %gather3A_535 : vector<16xf32>
      tpu.vector_store_idx %arg12[%add3A_302, %broadcast_in_dim3A_533], %sub3A_536 : memref<512x64xf32, #tpu.memory_space<vmem>>[vector<16xi32>, vector<16xi32>], vector<16xf32>,
      %broadcast_in_dim3A_537 = arith.constant 46 : i32
      %broadcast_in_dim3A_538 = vector.broadcast %broadcast_in_dim3A_537 : i32 to vector<16xi32>
      %gather3A_539 = tpu.vector_load_idx %arg10[%add3A_302, %broadcast_in_dim3A_538] : memref<512x64xf32, #tpu.memory_space<vmem>>[vector<16xi32>, vector<16xi32>], vector<16xf32>,
      %gather3A_540 = tpu.vector_load_idx %arg11[%add3A_302, %broadcast_in_dim3A_538] : memref<512x64xf32, #tpu.memory_space<vmem>>[vector<16xi32>, vector<16xi32>], vector<16xf32>,
      %sub3A_541 = arith.subf %gather3A_539, %gather3A_540 : vector<16xf32>
      tpu.vector_store_idx %arg12[%add3A_302, %broadcast_in_dim3A_538], %sub3A_541 : memref<512x64xf32, #tpu.memory_space<vmem>>[vector<16xi32>, vector<16xi32>], vector<16xf32>,
      %broadcast_in_dim3A_542 = arith.constant 47 : i32
      %broadcast_in_dim3A_543 = vector.broadcast %broadcast_in_dim3A_542 : i32 to vector<16xi32>
      %gather3A_544 = tpu.vector_load_idx %arg10[%add3A_302, %broadcast_in_dim3A_543] : memref<512x64xf32, #tpu.memory_space<vmem>>[vector<16xi32>, vector<16xi32>], vector<16xf32>,
      %gather3A_545 = tpu.vector_load_idx %arg11[%add3A_302, %broadcast_in_dim3A_543] : memref<512x64xf32, #tpu.memory_space<vmem>>[vector<16xi32>, vector<16xi32>], vector<16xf32>,
      %sub3A_546 = arith.subf %gather3A_544, %gather3A_545 : vector<16xf32>
      tpu.vector_store_idx %arg12[%add3A_302, %broadcast_in_dim3A_543], %sub3A_546 : memref<512x64xf32, #tpu.memory_space<vmem>>[vector<16xi32>, vector<16xi32>], vector<16xf32>,
      %broadcast_in_dim3A_547 = arith.constant 48 : i32
      %broadcast_in_dim3A_548 = vector.broadcast %broadcast_in_dim3A_547 : i32 to vector<16xi32>
      %gather3A_549 = tpu.vector_load_idx %arg10[%add3A_302, %broadcast_in_dim3A_548] : memref<512x64xf32, #tpu.memory_space<vmem>>[vector<16xi32>, vector<16xi32>], vector<16xf32>,
      %gather3A_550 = tpu.vector_load_idx %arg11[%add3A_302, %broadcast_in_dim3A_548] : memref<512x64xf32, #tpu.memory_space<vmem>>[vector<16xi32>, vector<16xi32>], vector<16xf32>,
      %sub3A_551 = arith.subf %gather3A_549, %gather3A_550 : vector<16xf32>
      tpu.vector_store_idx %arg12[%add3A_302, %broadcast_in_dim3A_548], %sub3A_551 : memref<512x64xf32, #tpu.memory_space<vmem>>[vector<16xi32>, vector<16xi32>], vector<16xf32>,
      %broadcast_in_dim3A_552 = arith.constant 49 : i32
      %broadcast_in_dim3A_553 = vector.broadcast %broadcast_in_dim3A_552 : i32 to vector<16xi32>
      %gather3A_554 = tpu.vector_load_idx %arg10[%add3A_302, %broadcast_in_dim3A_553] : memref<512x64xf32, #tpu.memory_space<vmem>>[vector<16xi32>, vector<16xi32>], vector<16xf32>,
      %gather3A_555 = tpu.vector_load_idx %arg11[%add3A_302, %broadcast_in_dim3A_553] : memref<512x64xf32, #tpu.memory_space<vmem>>[vector<16xi32>, vector<16xi32>], vector<16xf32>,
      %sub3A_556 = arith.subf %gather3A_554, %gather3A_555 : vector<16xf32>
      tpu.vector_store_idx %arg12[%add3A_302, %broadcast_in_dim3A_553], %sub3A_556 : memref<512x64xf32, #tpu.memory_space<vmem>>[vector<16xi32>, vector<16xi32>], vector<16xf32>,
      %broadcast_in_dim3A_557 = arith.constant 50 : i32
      %broadcast_in_dim3A_558 = vector.broadcast %broadcast_in_dim3A_557 : i32 to vector<16xi32>
      %gather3A_559 = tpu.vector_load_idx %arg10[%add3A_302, %broadcast_in_dim3A_558] : memref<512x64xf32, #tpu.memory_space<vmem>>[vector<16xi32>, vector<16xi32>], vector<16xf32>,
      %gather3A_560 = tpu.vector_load_idx %arg11[%add3A_302, %broadcast_in_dim3A_558] : memref<512x64xf32, #tpu.memory_space<vmem>>[vector<16xi32>, vector<16xi32>], vector<16xf32>,
      %sub3A_561 = arith.subf %gather3A_559, %gather3A_560 : vector<16xf32>
      tpu.vector_store_idx %arg12[%add3A_302, %broadcast_in_dim3A_558], %sub3A_561 : memref<512x64xf32, #tpu.memory_space<vmem>>[vector<16xi32>, vector<16xi32>], vector<16xf32>,
      %broadcast_in_dim3A_562 = arith.constant 51 : i32
      %broadcast_in_dim3A_563 = vector.broadcast %broadcast_in_dim3A_562 : i32 to vector<16xi32>
      %gather3A_564 = tpu.vector_load_idx %arg10[%add3A_302, %broadcast_in_dim3A_563] : memref<512x64xf32, #tpu.memory_space<vmem>>[vector<16xi32>, vector<16xi32>], vector<16xf32>,
      %gather3A_565 = tpu.vector_load_idx %arg11[%add3A_302, %broadcast_in_dim3A_563] : memref<512x64xf32, #tpu.memory_space<vmem>>[vector<16xi32>, vector<16xi32>], vector<16xf32>,
      %sub3A_566 = arith.subf %gather3A_564, %gather3A_565 : vector<16xf32>
      tpu.vector_store_idx %arg12[%add3A_302, %broadcast_in_dim3A_563], %sub3A_566 : memref<512x64xf32, #tpu.memory_space<vmem>>[vector<16xi32>, vector<16xi32>], vector<16xf32>,
      %broadcast_in_dim3A_567 = arith.constant 52 : i32
      %broadcast_in_dim3A_568 = vector.broadcast %broadcast_in_dim3A_567 : i32 to vector<16xi32>
      %gather3A_569 = tpu.vector_load_idx %arg10[%add3A_302, %broadcast_in_dim3A_568] : memref<512x64xf32, #tpu.memory_space<vmem>>[vector<16xi32>, vector<16xi32>], vector<16xf32>,
      %gather3A_570 = tpu.vector_load_idx %arg11[%add3A_302, %broadcast_in_dim3A_568] : memref<512x64xf32, #tpu.memory_space<vmem>>[vector<16xi32>, vector<16xi32>], vector<16xf32>,
      %sub3A_571 = arith.subf %gather3A_569, %gather3A_570 : vector<16xf32>
      tpu.vector_store_idx %arg12[%add3A_302, %broadcast_in_dim3A_568], %sub3A_571 : memref<512x64xf32, #tpu.memory_space<vmem>>[vector<16xi32>, vector<16xi32>], vector<16xf32>,
      %broadcast_in_dim3A_572 = arith.constant 53 : i32
      %broadcast_in_dim3A_573 = vector.broadcast %broadcast_in_dim3A_572 : i32 to vector<16xi32>
      %gather3A_574 = tpu.vector_load_idx %arg10[%add3A_302, %broadcast_in_dim3A_573] : memref<512x64xf32, #tpu.memory_space<vmem>>[vector<16xi32>, vector<16xi32>], vector<16xf32>,
      %gather3A_575 = tpu.vector_load_idx %arg11[%add3A_302, %broadcast_in_dim3A_573] : memref<512x64xf32, #tpu.memory_space<vmem>>[vector<16xi32>, vector<16xi32>], vector<16xf32>,
      %sub3A_576 = arith.subf %gather3A_574, %gather3A_575 : vector<16xf32>
      tpu.vector_store_idx %arg12[%add3A_302, %broadcast_in_dim3A_573], %sub3A_576 : memref<512x64xf32, #tpu.memory_space<vmem>>[vector<16xi32>, vector<16xi32>], vector<16xf32>,
      %broadcast_in_dim3A_577 = arith.constant 54 : i32
      %broadcast_in_dim3A_578 = vector.broadcast %broadcast_in_dim3A_577 : i32 to vector<16xi32>
      %gather3A_579 = tpu.vector_load_idx %arg10[%add3A_302, %broadcast_in_dim3A_578] : memref<512x64xf32, #tpu.memory_space<vmem>>[vector<16xi32>, vector<16xi32>], vector<16xf32>,
      %gather3A_580 = tpu.vector_load_idx %arg11[%add3A_302, %broadcast_in_dim3A_578] : memref<512x64xf32, #tpu.memory_space<vmem>>[vector<16xi32>, vector<16xi32>], vector<16xf32>,
      %sub3A_581 = arith.subf %gather3A_579, %gather3A_580 : vector<16xf32>
      tpu.vector_store_idx %arg12[%add3A_302, %broadcast_in_dim3A_578], %sub3A_581 : memref<512x64xf32, #tpu.memory_space<vmem>>[vector<16xi32>, vector<16xi32>], vector<16xf32>,
      %broadcast_in_dim3A_582 = arith.constant 55 : i32
      %broadcast_in_dim3A_583 = vector.broadcast %broadcast_in_dim3A_582 : i32 to vector<16xi32>
      %gather3A_584 = tpu.vector_load_idx %arg10[%add3A_302, %broadcast_in_dim3A_583] : memref<512x64xf32, #tpu.memory_space<vmem>>[vector<16xi32>, vector<16xi32>], vector<16xf32>,
      %gather3A_585 = tpu.vector_load_idx %arg11[%add3A_302, %broadcast_in_dim3A_583] : memref<512x64xf32, #tpu.memory_space<vmem>>[vector<16xi32>, vector<16xi32>], vector<16xf32>,
      %sub3A_586 = arith.subf %gather3A_584, %gather3A_585 : vector<16xf32>
      tpu.vector_store_idx %arg12[%add3A_302, %broadcast_in_dim3A_583], %sub3A_586 : memref<512x64xf32, #tpu.memory_space<vmem>>[vector<16xi32>, vector<16xi32>], vector<16xf32>,
      %broadcast_in_dim3A_587 = arith.constant 56 : i32
      %broadcast_in_dim3A_588 = vector.broadcast %broadcast_in_dim3A_587 : i32 to vector<16xi32>
      %gather3A_589 = tpu.vector_load_idx %arg10[%add3A_302, %broadcast_in_dim3A_588] : memref<512x64xf32, #tpu.memory_space<vmem>>[vector<16xi32>, vector<16xi32>], vector<16xf32>,
      %gather3A_590 = tpu.vector_load_idx %arg11[%add3A_302, %broadcast_in_dim3A_588] : memref<512x64xf32, #tpu.memory_space<vmem>>[vector<16xi32>, vector<16xi32>], vector<16xf32>,
      %sub3A_591 = arith.subf %gather3A_589, %gather3A_590 : vector<16xf32>
      tpu.vector_store_idx %arg12[%add3A_302, %broadcast_in_dim3A_588], %sub3A_591 : memref<512x64xf32, #tpu.memory_space<vmem>>[vector<16xi32>, vector<16xi32>], vector<16xf32>,
      %broadcast_in_dim3A_592 = arith.constant 57 : i32
      %broadcast_in_dim3A_593 = vector.broadcast %broadcast_in_dim3A_592 : i32 to vector<16xi32>
      %gather3A_594 = tpu.vector_load_idx %arg10[%add3A_302, %broadcast_in_dim3A_593] : memref<512x64xf32, #tpu.memory_space<vmem>>[vector<16xi32>, vector<16xi32>], vector<16xf32>,
      %gather3A_595 = tpu.vector_load_idx %arg11[%add3A_302, %broadcast_in_dim3A_593] : memref<512x64xf32, #tpu.memory_space<vmem>>[vector<16xi32>, vector<16xi32>], vector<16xf32>,
      %sub3A_596 = arith.subf %gather3A_594, %gather3A_595 : vector<16xf32>
      tpu.vector_store_idx %arg12[%add3A_302, %broadcast_in_dim3A_593], %sub3A_596 : memref<512x64xf32, #tpu.memory_space<vmem>>[vector<16xi32>, vector<16xi32>], vector<16xf32>,
      %broadcast_in_dim3A_597 = arith.constant 58 : i32
      %broadcast_in_dim3A_598 = vector.broadcast %broadcast_in_dim3A_597 : i32 to vector<16xi32>
      %gather3A_599 = tpu.vector_load_idx %arg10[%add3A_302, %broadcast_in_dim3A_598] : memref<512x64xf32, #tpu.memory_space<vmem>>[vector<16xi32>, vector<16xi32>], vector<16xf32>,
      %gather3A_600 = tpu.vector_load_idx %arg11[%add3A_302, %broadcast_in_dim3A_598] : memref<512x64xf32, #tpu.memory_space<vmem>>[vector<16xi32>, vector<16xi32>], vector<16xf32>,
      %sub3A_601 = arith.subf %gather3A_599, %gather3A_600 : vector<16xf32>
      tpu.vector_store_idx %arg12[%add3A_302, %broadcast_in_dim3A_598], %sub3A_601 : memref<512x64xf32, #tpu.memory_space<vmem>>[vector<16xi32>, vector<16xi32>], vector<16xf32>,
      %broadcast_in_dim3A_602 = arith.constant 59 : i32
      %broadcast_in_dim3A_603 = vector.broadcast %broadcast_in_dim3A_602 : i32 to vector<16xi32>
      %gather3A_604 = tpu.vector_load_idx %arg10[%add3A_302, %broadcast_in_dim3A_603] : memref<512x64xf32, #tpu.memory_space<vmem>>[vector<16xi32>, vector<16xi32>], vector<16xf32>,
      %gather3A_605 = tpu.vector_load_idx %arg11[%add3A_302, %broadcast_in_dim3A_603] : memref<512x64xf32, #tpu.memory_space<vmem>>[vector<16xi32>, vector<16xi32>], vector<16xf32>,
      %sub3A_606 = arith.subf %gather3A_604, %gather3A_605 : vector<16xf32>
      tpu.vector_store_idx %arg12[%add3A_302, %broadcast_in_dim3A_603], %sub3A_606 : memref<512x64xf32, #tpu.memory_space<vmem>>[vector<16xi32>, vector<16xi32>], vector<16xf32>,
      %broadcast_in_dim3A_607 = arith.constant 60 : i32
      %broadcast_in_dim3A_608 = vector.broadcast %broadcast_in_dim3A_607 : i32 to vector<16xi32>
      %gather3A_609 = tpu.vector_load_idx %arg10[%add3A_302, %broadcast_in_dim3A_608] : memref<512x64xf32, #tpu.memory_space<vmem>>[vector<16xi32>, vector<16xi32>], vector<16xf32>,
      %gather3A_610 = tpu.vector_load_idx %arg11[%add3A_302, %broadcast_in_dim3A_608] : memref<512x64xf32, #tpu.memory_space<vmem>>[vector<16xi32>, vector<16xi32>], vector<16xf32>,
      %sub3A_611 = arith.subf %gather3A_609, %gather3A_610 : vector<16xf32>
      tpu.vector_store_idx %arg12[%add3A_302, %broadcast_in_dim3A_608], %sub3A_611 : memref<512x64xf32, #tpu.memory_space<vmem>>[vector<16xi32>, vector<16xi32>], vector<16xf32>,
      %broadcast_in_dim3A_612 = arith.constant 61 : i32
      %broadcast_in_dim3A_613 = vector.broadcast %broadcast_in_dim3A_612 : i32 to vector<16xi32>
      %gather3A_614 = tpu.vector_load_idx %arg10[%add3A_302, %broadcast_in_dim3A_613] : memref<512x64xf32, #tpu.memory_space<vmem>>[vector<16xi32>, vector<16xi32>], vector<16xf32>,
      %gather3A_615 = tpu.vector_load_idx %arg11[%add3A_302, %broadcast_in_dim3A_613] : memref<512x64xf32, #tpu.memory_space<vmem>>[vector<16xi32>, vector<16xi32>], vector<16xf32>,
      %sub3A_616 = arith.subf %gather3A_614, %gather3A_615 : vector<16xf32>
      tpu.vector_store_idx %arg12[%add3A_302, %broadcast_in_dim3A_613], %sub3A_616 : memref<512x64xf32, #tpu.memory_space<vmem>>[vector<16xi32>, vector<16xi32>], vector<16xf32>,
      %broadcast_in_dim3A_617 = arith.constant 62 : i32
      %broadcast_in_dim3A_618 = vector.broadcast %broadcast_in_dim3A_617 : i32 to vector<16xi32>
      %gather3A_619 = tpu.vector_load_idx %arg10[%add3A_302, %broadcast_in_dim3A_618] : memref<512x64xf32, #tpu.memory_space<vmem>>[vector<16xi32>, vector<16xi32>], vector<16xf32>,
      %gather3A_620 = tpu.vector_load_idx %arg11[%add3A_302, %broadcast_in_dim3A_618] : memref<512x64xf32, #tpu.memory_space<vmem>>[vector<16xi32>, vector<16xi32>], vector<16xf32>,
      %sub3A_621 = arith.subf %gather3A_619, %gather3A_620 : vector<16xf32>
      tpu.vector_store_idx %arg12[%add3A_302, %broadcast_in_dim3A_618], %sub3A_621 : memref<512x64xf32, #tpu.memory_space<vmem>>[vector<16xi32>, vector<16xi32>], vector<16xf32>,
      %broadcast_in_dim3A_622 = arith.constant 63 : i32
      %broadcast_in_dim3A_623 = vector.broadcast %broadcast_in_dim3A_622 : i32 to vector<16xi32>
      %gather3A_624 = tpu.vector_load_idx %arg10[%add3A_302, %broadcast_in_dim3A_623] : memref<512x64xf32, #tpu.memory_space<vmem>>[vector<16xi32>, vector<16xi32>], vector<16xf32>,
      %gather3A_625 = tpu.vector_load_idx %arg11[%add3A_302, %broadcast_in_dim3A_623] : memref<512x64xf32, #tpu.memory_space<vmem>>[vector<16xi32>, vector<16xi32>], vector<16xf32>,
      %sub3A_626 = arith.subf %gather3A_624, %gather3A_625 : vector<16xf32>
      tpu.vector_store_idx %arg12[%add3A_302, %broadcast_in_dim3A_623], %sub3A_626 : memref<512x64xf32, #tpu.memory_space<vmem>>[vector<16xi32>, vector<16xi32>], vector<16xf32>,
    }
    %scan3A_297 = arith.constant 32 : i32
    "tpu.region"() ({
      %run_scoped3A = tpu.sem_alloc : memref<!tpu.dma_semaphore, #tpu.memory_space<semaphore_mem>>
      %dma_start3A_298 = arith.constant 0 : i32
      %dma_start3A_299 = tpu.memref_slice %arg6[%mul3A_2, %dma_start3A_298] : memref<16384x64xf32, #tpu.memory_space<hbm>> -> memref<512x64xf32, #tpu.memory_space<hbm>>
      %dma_start3A_300 = arith.constant 0 : i32
      %dma_start3A_301 = tpu.memref_slice %arg6[%mul3A_2, %dma_start3A_300] : memref<16384x64xf32, #tpu.memory_space<hbm>> -> memref<512x64xf32, #tpu.memory_space<hbm>>
      tpu.enqueue_dma source(%arg12 : memref<512x64xf32, #tpu.memory_space<vmem>>) target(%dma_start3A_301 : memref<512x64xf32, #tpu.memory_space<hbm>>) target_semaphore(%run_scoped3A : memref<!tpu.dma_semaphore, #tpu.memory_space<semaphore_mem>>)
      %dma_wait3A_302 = arith.constant 0 : i32
      %dma_wait3A_303 = tpu.memref_slice %arg6[%mul3A_2, %dma_wait3A_302] : memref<16384x64xf32, #tpu.memory_space<hbm>> -> memref<512x64xf32, #tpu.memory_space<hbm>>
      %dma_wait3A_304 = arith.constant 0 : i32
      %dma_wait3A_305 = tpu.memref_slice %arg6[%mul3A_2, %dma_wait3A_304] : memref<16384x64xf32, #tpu.memory_space<hbm>> -> memref<512x64xf32, #tpu.memory_space<hbm>>
      tpu.wait_dma2 semaphore(%run_scoped3A : memref<!tpu.dma_semaphore, #tpu.memory_space<semaphore_mem>>) src(%arg12 : memref<512x64xf32, #tpu.memory_space<vmem>>) dst(%dma_wait3A_305 : memref<512x64xf32, #tpu.memory_space<hbm>>)
      tpu.yield
    }) : () -> ()
    "tpu.region"() ({
      %run_scoped3A = tpu.sem_alloc : memref<!tpu.dma_semaphore, #tpu.memory_space<semaphore_mem>>
      %dma_start3A_298 = tpu.memref_slice %arg7[%mul3A_2] : memref<16384xf32, #tpu.memory_space<hbm>> -> memref<512xf32, #tpu.memory_space<hbm>>
      %dma_start3A_299 = tpu.memref_slice %arg7[%mul3A_2] : memref<16384xf32, #tpu.memory_space<hbm>> -> memref<512xf32, #tpu.memory_space<hbm>>
      tpu.enqueue_dma source(%arg15 : memref<512xf32, #tpu.memory_space<vmem>>) target(%dma_start3A_299 : memref<512xf32, #tpu.memory_space<hbm>>) target_semaphore(%run_scoped3A : memref<!tpu.dma_semaphore, #tpu.memory_space<semaphore_mem>>)
      %dma_wait3A_300 = tpu.memref_slice %arg7[%mul3A_2] : memref<16384xf32, #tpu.memory_space<hbm>> -> memref<512xf32, #tpu.memory_space<hbm>>
      %dma_wait3A_301 = tpu.memref_slice %arg7[%mul3A_2] : memref<16384xf32, #tpu.memory_space<hbm>> -> memref<512xf32, #tpu.memory_space<hbm>>
      tpu.wait_dma2 semaphore(%run_scoped3A : memref<!tpu.dma_semaphore, #tpu.memory_space<semaphore_mem>>) src(%arg15 : memref<512xf32, #tpu.memory_space<vmem>>) dst(%dma_wait3A_301 : memref<512xf32, #tpu.memory_space<hbm>>)
      tpu.yield
    }) : () -> ()
    return
  }
}

</mosaic_0001>

<sc_bundles>
// kernel: _run_items.3.cloned.1.call-start
scs
__scs_entry_jumppad:
0x0: {  	(pc) =	sbr.rel $0x88, $3  }
0x1: {  	(tag) =	ssettag $0x0;
	lr =	simm.s32 $0x1  }
0x2: {  	[smem:$0x3F9D] =	sst lr;
	_ =	strace $0xD0000000  }
0x3: {  	_ = 	snop  }
0x4: {  	_ = 	snop  }
0x5: {  	_ = 	snop  }
0x6: {  	_ = 	snop  }
0x7: {  	_ = 	snop  }
__scs_overlays_trampoline_lowered:
0x8: {  	[smem:$0x3FAC] =	sst s0  }
0x9: {  	[smem:$0x3FAD] =	sst s1  }
0xa: {  	[smem:$0x3FAE] =	sst s2  }
0xb: {  	[smem:$0x3FAF] =	sst s3  }
0xc: {  	[smem:$0x3FB0] =	sst s4  }
0xd: {  	[smem:$0x3FB1] =	sst s5  }
0xe: {  	[smem:$0x3FB2] =	sst s6  }
0xf: {  	[smem:$0x3FB3] =	sst s7  }
0x10: {  	[smem:$0x3FB4] =	sst s8  }
0x11: {  	[smem:$0x3FB5] =	sst s9;
	s0 =	simm.s32 @!p0 $0x0  }
0x12: {  	s1 =	sld [smem:$0x3F9B];
	s0 =	simm.s32 @p0 $0x1  }
0x13: {  	[smem:$0x3FB6] =	sst s0;
	s0 =	simm.s32 @!p1 $0x0  }
0x14: {  	s2 =	sld [smem:$0x3F9A];
	s0 =	simm.s32 @p1 $0x1  }
0x15: {  	[smem:$0x3FB7] =	sst s0;
	s0 =	simm.s32 @!p2 $0x0  }
0x16: {  	s3 =	sld [smem:$0x3FDB];
	s0 =	simm.s32 @p2 $0x1  }
0x17: {  	s4 =	simm.s32 $0x1BF5;
	[smem:$0x3FB9] =	sst s0  }
0x18: {  	s0 =	sld [smem:$0x3F9C];
	_ =	swait.ge [sflag:s4], $0x0  }
0x19: {  	s7 =	sld [smem:$0x3F9D]  }
0x1a: {  	s8 =	sadd.s32 $0xFFFFE003, lr  }
0x1b: {  	s9 =	sadd.s32 $0xFFFFFEF7, lr;
	s5 =	simm.s32 $0xFFFFFFFF;
	p2 =	slt.u32 s8, $0xFFFFF086  }
0x1c: {  	p1 =	slt.u32 s9, $0xF7A;
	s5 =	simm.s32 @!p2 $0x0  }
0x1d: {  	s5 =	simm.s32 @p1 $0x1;
	p0 =	seq.s32 s7, s2  }
0x1e: {  	s7 =	smul.u32 @!p0 $0xF7A, s2;
	p2 =	seq.s32 @!p0 s5, $0x0  }
0x1f: {  	s9 =	smul.u32 $0xF7A, s1;
	s8 =	simm.s32 @!p0 $0x1BF5;
	p2 =	por !p2, p0  }
0x20: {  	[sflag:s8] =	ssyncset.s32 @!p0 $0xFFFFF086;
	s6 =	sadd.s32 @!p0 s3, s7;
	s7 =	simm.s32 @!p0 $0x108  }
0x21: {  	s3 =	sadd.s32 s3, s9;
	s6 =	sadd.s32 @!p0 $0x88, s6;
	s7 =	simm.s32 @p2 $0x1082  }
0x22: {  	[simem:s7], [sflag:s8] =	dma.local @!p0 [hbm:s6], $0xF7A  }
0x23: {  	s9 =	sor.u32 $0xD0000000, s2;
	s6 =	simm.s32 $0x108;
	_ =	swait.ge @!p0 [sflag:s8], $0x0  }
0x24: {  	s3 =	sadd.s32 $0x88, s3;
	s6 =	simm.s32 @!p1 $0x1082;
	[sflag:s4] =	ssyncset.s32 $0xFFFFF086  }
0x25: {  	[simem:s6], [sflag:s4] =	dma.local [hbm:s3], $0xF7A  }
0x26: {  	[smem:$0x3F9D] =	sst s1;
	(tag) =	ssettag s2;
	_ =	strace s9  }
0x27: {  	s1 =	sld [smem:$0x3FAD]  }
0x28: {  	s2 =	sld [smem:$0x3FAE]  }
0x29: {  	s4 =	sld [smem:$0x3FB0]  }
0x2a: {  	p0 =	seq.s32 s5, $0x0;
	s5 =	sld [smem:$0x3FB1]  }
0x2b: {  	s6 =	sld [smem:$0x3FB2]  }
0x2c: {  	s7 =	sld [smem:$0x3FB3]  }
0x2d: {  	s3 =	simm.s32 $0x108;
	s8 =	sld [smem:$0x3FB4]  }
0x2e: {  	s3 =	simm.s32 @!p0 $0x1082;
	s9 =	sld [smem:$0x3FB5]  }
0x2f: {  	lr =	sadd.s32 s0, s3;
	s0 =	sld [smem:$0x3FAC]  }
0x30: {  	s3 =	sld [smem:$0x3FAF]  }
0x31: {  	[smem:$0x3FB8] =	sst s10  }
0x32: {  	s10 =	sld [smem:$0x3FB6];
	_ =	sdelay $0x3  }
0x33: {  	p0 =	seq.s32 s10, $0x1;
	s10 =	sld [smem:$0x3FB8];
	_ =	sdelay $0x3  }
0x34: {  	[smem:$0x3FB8] =	sst s10  }
0x35: {  	s10 =	sld [smem:$0x3FB7];
	_ =	sdelay $0x3  }
0x36: {  	p1 =	seq.s32 s10, $0x1;
	s10 =	sld [smem:$0x3FB8];
	_ =	sdelay $0x3  }
0x37: {  	[smem:$0x3FB8] =	sst s10  }
0x38: {  	s10 =	sld [smem:$0x3FB9]  }
0x39: {  	_ = 	snop;
	(pc) =	sbr.ind lr, $3  }
0x3a: {  	_ = 	snop  }
0x3b: {  	_ = 	snop  }
0x3c: {  	p2 =	seq.s32 s10, $0x1;
	s10 =	sld [smem:$0x3FB8]  }
0x3d: {  	_ =	shalt  }
0x3e: {  	_ =	shalt  }
0x3f: {  	_ =	shalt  }
0x40: {  	_ =	shalt  }
0x41: {  	_ =	shalt  }
0x42: {  	_ =	shalt  }
0x43: {  	_ =	shalt  }
0x44: {  	_ =	shalt  }
0x45: {  	_ =	shalt  }
0x46: {  	_ =	shalt  }
0x47: {  	_ =	shalt  }
0x48: {  	_ =	shalt  }
0x49: {  	_ =	shalt  }
0x4a: {  	_ =	shalt  }
0x4b: {  	_ =	shalt  }
0x4c: {  	_ =	shalt  }
0x4d: {  	_ =	shalt  }
0x4e: {  	_ =	shalt  }
0x4f: {  	_ =	shalt  }
0x50: {  	_ =	shalt  }
0x51: {  	_ =	shalt  }
0x52: {  	_ =	shalt  }
0x53: {  	_ =	shalt  }
0x54: {  	_ =	shalt  }
0x55: {  	_ =	shalt  }
0x56: {  	_ =	shalt  }
0x57: {  	_ =	shalt  }
0x58: {  	_ =	shalt  }
0x59: {  	_ =	shalt  }
0x5a: {  	_ =	shalt  }
0x5b: {  	_ =	shalt  }
0x5c: {  	_ =	shalt  }
0x5d: {  	_ =	shalt  }
0x5e: {  	_ =	shalt  }
0x5f: {  	_ =	shalt  }
0x60: {  	_ =	shalt  }
0x61: {  	_ =	shalt  }
0x62: {  	_ =	shalt  }
0x63: {  	_ =	shalt  }
0x64: {  	_ =	shalt  }
0x65: {  	_ =	shalt  }
0x66: {  	_ =	shalt  }
0x67: {  	_ =	shalt  }
0x68: {  	_ =	shalt  }
0x69: {  	_ =	shalt  }
0x6a: {  	_ =	shalt  }
0x6b: {  	_ =	shalt  }
0x6c: {  	_ =	shalt  }
0x6d: {  	_ =	shalt  }
0x6e: {  	_ =	shalt  }
0x6f: {  	_ =	shalt  }
0x70: {  	_ =	shalt  }
0x71: {  	_ =	shalt  }
0x72: {  	_ =	shalt  }
0x73: {  	_ =	shalt  }
0x74: {  	_ =	shalt  }
0x75: {  	_ =	shalt  }
0x76: {  	_ =	shalt  }
0x77: {  	_ =	shalt  }
0x78: {  	_ =	shalt  }
0x79: {  	_ =	shalt  }
0x7a: {  	_ =	shalt  }
0x7b: {  	_ =	shalt  }
0x7c: {  	_ =	shalt  }
0x7d: {  	_ =	shalt  }
0x7e: {  	_ =	shalt  }
0x7f: {  	_ =	shalt  }
0x80: {  	_ =	shalt  }
0x81: {  	_ =	shalt  }
0x82: {  	_ =	shalt  }
0x83: {  	_ =	shalt  }
0x84: {  	_ =	shalt  }
0x85: {  	_ =	shalt  }
0x86: {  	_ =	shalt  }
0x87: {  	_ =	shalt  }
.Lfunc_end0:
.L_simem_size_0:
called_computation_lowered:
.L_overlay_start_0:
0x88: {  	s2 =	sld [smem:$0x3FD9]  }
0x89: {  	s3 =	sld [smem:$0x3FFE];
	_ =	sdelay $0x1  }
0x8a: {  	s1 =	srdreg.scid  }
0x8b: {  	s0 =	sand.u32 $0x1, s1  }
0x8c: {  	s14 =	sshll.u32 s0, $0xA;
	s2 =	sadd.s32 s3, s2  }
0x8d: {  	s2 =	sadd.s32 s2, s14  }
0x8e: {  	[smem:$0x3FC4] =	sst s2  }
0x8f: {  	_ = 	snop  }
0x90: {  	s2 =	sld [smem:$0x3FD0]  }
0x91: {  	s15 =	sld [smem:$0x3FC9]  }
0x92: {  	s4 =	sld [smem:$0x3FC8]  }
0x93: {  	s6 =	simm.s32 $0xA;
	s7 =	simm.s32 $0x10;
	s5 =	sld [smem:$0x3FC6]  }
0x94: {  	[smem:s7], [sflag:s6] =	dma.local [hbm:s2], $0x1  }
0x95: {  	_ =	swait.eq [sflag:s6], $0x1  }
0x96: {  	[sflag:s6] =	ssyncset.done $0x0  }
0x97: {  	s16 =	sld [smem:$0x10];
	[sflag:s6] =	ssyncadd.s32 $0xFFFFFFFF  }
0x98: {  	s17 =	sld [smem:$0x11];
	(tm) =	ssettm $0x1  }
0x99: {  	s18 =	sld [smem:$0x3FFB];
	_ =	sdelay $0x3  }
0x9a: {  	_ =	strace s18  }
0x9b: {  	s7 =	sld [smem:$0x3FFC];
	_ =	sdelay $0x3  }
0x9c: {  	_ =	strace s7  }
0x9d: {  	s7 =	sld [smem:$0x3FFD];
	_ =	sdelay $0x3  }
0x9e: {  	_ =	strace s7  }
0x9f: {  	_ =	strace $0x8FFFFFFF  }
0xa0: {  	s19 =	sld [smem:$0x3FDB];
	_ =	sdelay $0x1  }
0xa1: {  	s8 =	simm.s32 $_scs_section_size  }
0xa2: {  	s9 =	simm.s32 $_size__tile_overlayer_lowered;
	s10 =	simm.s32 $_tile_overlayer_lowered  }
0xa3: {  	s22 =	simm.s32 $0x1BFF;
	s21 =	sshll.u32 s10, $0x1;
	s7 =	sadd.s32 s8, s19  }
0xa4: {  	s11 =	simm.s32 $0x0;
	s20 =	sshll.u32 s9, $0x1;
	s9 =	sadd.s32 s21, s7  }
0xa5: {  	[timem:s11], [sflag:s22] =	dma.local [hbm:s9], s20  }
0xa6: {  	_ =	swait.ge [sflag:s22], s20  }
0xa7: {  	s8 =	ssub.s32 $0x0, s20;
	[sflag:s22] =	ssyncset.done $0x0  }
0xa8: {  	[sflag:s22] =	ssyncadd.s32 s8;
	_ =	sdelay $0x1  }
0xa9: {  	s23 =	simm.s32 $0x1B8B  }
0xaa: {  	_ =	swait.ge [sflag:s23], $0x1  }
0xab: {  	[sflag:s23] =	ssyncset.done $0x0  }
0xac: {  	s25 =	simm.s32 $0x1B8E;
	s24 =	sld [smem:$0x3FFE];
	[sflag:s23] =	ssyncadd.s32 $0xFFFFFFFF  }
0xad: {  	s26 =	simm.s32 $execute0_lowered;
	[smem:$0x3FD2] =	sst s25  }
0xae: {  	s9 =	sshll.u32 s26, $0x1;
	_ =	strace $0x80000046;
	[dreg:$0x1] =	wrdreg $0xFFFFFFFF  }
0xaf: {  	s28 =	simm.s32 $_size_execute0_lowered;
	s7 =	sadd.s32 s7, s9;
	[dreg:$0x0] =	wrdreg $0x0  }
0xb0: {  	s9 =	sshll.u32 s28, $0x1;
	[dreg:$0x2] =	wrdreg s7  }
0xb1: {  	[dreg:$0x3] =	wrdreg s9  }
0xb2: {  	[dreg:$0x4] =	wrdreg $0xC0  }
0xb3: {  	_ =	task [dreg:s11], $0x5FFFF  }
0xb4: {  	[dreg:$0x1] =	wrdreg $0xFFFFFFFF  }
0xb5: {  	[dreg:$0x0] =	wrdreg $0x60  }
0xb6: {  	[dreg:$0x2] =	wrdreg s15  }
0xb7: {  	[dreg:$0x3] =	wrdreg s4  }
0xb8: {  	[dreg:$0x4] =	wrdreg s24  }
0xb9: {  	[dreg:$0x5] =	wrdreg s5  }
0xba: {  	[dreg:$0x6] =	wrdreg s16  }
0xbb: {  	[dreg:$0x7] =	wrdreg s17  }
0xbc: {  	[dreg:$0x8] =	wrdreg $0x9  }
0xbd: {  	_ =	task.clear_ibuf [dreg:s11], $0x9FFFF;
	_ =	strace $0x90000046  }
0xbe: {  	s29 =	simm.s32 $0x9;
	_ =	strace $0x80000048  }
0xbf: {  	_ =	swait.ge [sflag:s29], $0x1  }
0xc0: {  	[sflag:s29] =	ssyncadd.s32 $0xFFFFFFFF  }
0xc1: {  	_ =	strace $0x90000048  }
0xc2: {  	_ =	sfence  }
0xc3: {  	s30 =	sld [smem:$0x0];
	_ =	sdelay $0x2  }
0xc4: {  	s31 =	sshll.u32 s1, $0xD;
	s1 =	sshrl.u32 s1, $0x2  }
0xc5: {  	s3 =	sand.u32 $0x4000, s31;
	s1 =	sadd.s32 s1, s30  }
0xc6: {  	s0 =	sor.u32 s3, s0;
	s1 =	sshll.u32 s1, $0x11  }
0xc7: {  	s0 =	sor.u32 s1, s0  }
0xc8: {  	s0 =	sadd.s32 $0x8F2B, s0  }
0xc9: {  	[sflag:s0] =	ssyncadd.remote.s32 $0x1  }
0xca: {  	_ =	sfence.sel $0xFFFF  }
0xcb: {  	[dreg:$0x0] =	wrdreg $0xFFFFFFFF;
	(pc) =	sbr.abs _section_cstart, $3  }
0xcc: {  	[dreg:$0x1] =	wrdreg $0xFFFFFFFF  }
0xcd: {  	_ =	task.clear_ibuf [dreg:s11], $0x2FFFF;
	_ =	strace $0x9FFFFFFF  }
0xce: {  	(tm) =	ssettm $0x7FFFFFFF  }
0xcf: {  	_ =	shalt  }
tec
execute0_lowered:
.L_overlay_start_1:
0x0: {  	(tag) =	ssettag $0x1  }
0x1: {  	s0 =	rddreg [dreg:$0x0]  }
0x2: {  	s2 =	rddreg [dreg:$0x1]  }
0x3: {  	s4 =	rddreg [dreg:$0x2]  }
0x4: {  	s1 =	rddreg [dreg:$0x3]  }
0x5: {  	s7 =	rddreg [dreg:$0x4]  }
0x6: {  	s8 =	rddreg [dreg:$0x5];
	s3 =	simm.s32 $0x0;
	s5 =	srdreg.scid  }
0x7: {  	s6 =	stileid.u32;
	s11 =	simm.s32 $0x200;
	s12 =	simm.s32 $0x80  }
0x8: {  	s13 =	simm.s32 $0x400;
	s14 =	simm.s32 $0x8400;
	s16 =	simm.s32 $0x280  }
0x9: {  	s20 =	simm.s32 $0x100;
	s22 =	simm.s32 $0x300;
	s28 =	simm.s32 $0x6400  }
0xa: {  	s29 =	simm.s32 $0x380;
	s30 =	simm.s32 $0xE400;
	s31 =	simm.s32 $0x18580  }
0xb: {  	s15 =	simm.s32 $0x10400;
	s17 =	simm.s32 $0x18800;
	s18 =	simm.s32 $0x0  }
0xc: {  	[smem:$0x7FF] =	sst s3;
	s5 =	sand.u32 $0x1, s5;
	s6 =	sshll.u32 s6, $0x1  }
0xd: {  	s4 =	sadd.s32 $0xF42C00, s4;
	s9 =	ssub.s32 $0x2, s5;
	s6 =	sor.u32 s5, s6  }
0xe: {  	_ =	strace $0x80000047;
	s25 =	sshrl.u32 s9, $0x1;
	s10 =	sshll.u32 s6, $0x6  }
0xf: {  	s26 =	sshll.u32 s6, $0xC;
	s9 =	ssub.s32 s9, s25;
	s5 =	sadd.s32 s0, s10  }
0x10: {  	s6 =	sadd.s32 s2, s10;
	s7 =	sadd.s32 s7, s26;
	s8 =	sadd.s32 s8, s10  }
0x11: {  	v0 =	vlaneseq.u32;
	s10 =	simm.s32 $0x2;
	s25 =	simm.s32 $0x18700;
	s26 =	simm.s32 $0x180  }
0x12: {  	v0 =	vmul.u32 $0x40, v0;
	s0 =	simm.s32 $0x18780;
	s2 =	simm.s32 $0x1;
	s9 =	smax.u32 s9, $0x1  }
.LBB2_1:
0x13: {  	[tilespmem:s3], [sflag:$0x2] =	stream.linear.gather [hbm4b:s5+s3], $0x200, $0x38;
	[tilespmem:$0x18A00] =	vst v63  }
0x14: {  	_ =	swait.ge [sflag:s10], $0x200  }
0x15: {  	[sflag:s10] =	ssyncset.done $0x0  }
0x16: {  	[sflag:s10] =	ssyncadd.s32 $0xFFFFFE00  }
0x17: {  	[tilespmem:s11], [sflag:$0x2] =	stream.linear.gather [hbm4b:s6+s3], $0x200, $0x38;
	[tilespmem:$0x18A00] =	vst v63  }
0x18: {  	_ =	swait.ge [sflag:s10], $0x200  }
0x19: {  	[sflag:s10] =	ssyncset.done $0x0  }
0x1a: {  	[sflag:s10] =	ssyncadd.s32 $0xFFFFFE00  }
0x1b: {  	[tilespmem:s13], [sflag:$0x1] =	stream.indirect.gather [hbm4b:s4+s12], $0x40, s3, s12, $0xb8;
	[tilespmem:$0x18A00] =	vst v63  }
0x1c: {  	_ = 	snop  }
0x1d: {  	[tilespmem:s14], [sflag:$0x1] =	stream.indirect.gather [hbm4b:s4+s12], $0x40, s11, s12, $0xb8;
	[tilespmem:$0x18A00] =	vst v63  }
0x1e: {  	s19 =	simm.s32 $0x18400  }
0x1f: {  	[tilespmem:s19], [sflag:$0x1] =	stream.indirect.gather [hbm4b:s1+s12], $0x1, s3, s12, $0xb8;
	[tilespmem:$0x18A00] =	vst v63  }
0x20: {  	s21 =	simm.s32 $0x18600  }
0x21: {  	[tilespmem:s21], [sflag:$0x1] =	stream.indirect.gather [hbm4b:s1+s12], $0x1, s11, s12, $0xb8;
	[tilespmem:$0x18A00] =	vst v63  }
0x22: {  	s23 =	simm.s32 $0x2400  }
0x23: {  	[tilespmem:s23], [sflag:$0x1] =	stream.indirect.gather [hbm4b:s4+s12], $0x40, s12, s12, $0xb8;
	[tilespmem:$0x18A00] =	vst v63  }
0x24: {  	s24 =	simm.s32 $0xA400  }
0x25: {  	[tilespmem:s24], [sflag:$0x1] =	stream.indirect.gather [hbm4b:s4+s12], $0x40, s16, s12, $0xb8;
	[tilespmem:$0x18A00] =	vst v63  }
0x26: {  	s24 =	simm.s32 $0x18480  }
0x27: {  	[tilespmem:s24], [sflag:$0x1] =	stream.indirect.gather [hbm4b:s1+s12], $0x1, s12, s12, $0xb8;
	[tilespmem:$0x18A00] =	vst v63  }
0x28: {  	s24 =	simm.s32 $0x18680  }
0x29: {  	[tilespmem:s24], [sflag:$0x1] =	stream.indirect.gather [hbm4b:s1+s12], $0x1, s16, s12, $0xb8;
	[tilespmem:$0x18A00] =	vst v63  }
0x2a: {  	s24 =	simm.s32 $0x4400  }
0x2b: {  	[tilespmem:s24], [sflag:$0x1] =	stream.indirect.gather [hbm4b:s4+s12], $0x40, s20, s12, $0xb8;
	[tilespmem:$0x18A00] =	vst v63  }
0x2c: {  	s24 =	simm.s32 $0xC400  }
0x2d: {  	[tilespmem:s24], [sflag:$0x1] =	stream.indirect.gather [hbm4b:s4+s12], $0x40, s22, s12, $0xb8;
	[tilespmem:$0x18A00] =	vst v63  }
0x2e: {  	s24 =	simm.s32 $0x18500  }
0x2f: {  	[tilespmem:s24], [sflag:$0x1] =	stream.indirect.gather [hbm4b:s1+s12], $0x1, s20, s12, $0xb8;
	[tilespmem:$0x18A00] =	vst v63  }
0x30: {  	_ = 	snop  }
0x31: {  	[tilespmem:s25], [sflag:$0x1] =	stream.indirect.gather [hbm4b:s1+s12], $0x1, s22, s12, $0xb8;
	[tilespmem:$0x18A00] =	vst v63  }
0x32: {  	_ = 	snop  }
0x33: {  	[tilespmem:s28], [sflag:$0x1] =	stream.indirect.gather [hbm4b:s4+s12], $0x40, s26, s12, $0xb8;
	[tilespmem:$0x18A00] =	vst v63  }
0x34: {  	_ = 	snop  }
0x35: {  	[tilespmem:s30], [sflag:$0x1] =	stream.indirect.gather [hbm4b:s4+s12], $0x40, s29, s12, $0xb8;
	[tilespmem:$0x18A00] =	vst v63  }
0x36: {  	_ = 	snop  }
0x37: {  	[tilespmem:s31], [sflag:$0x1] =	stream.indirect.gather [hbm4b:s1+s12], $0x1, s26, s12, $0xb8;
	[tilespmem:$0x18A00] =	vst v63  }
0x38: {  	_ = 	snop  }
0x39: {  	[tilespmem:s0], [sflag:$0x1] =	stream.indirect.gather [hbm4b:s1+s12], $0x1, s29, s12, $0xb8;
	[tilespmem:$0x18A00] =	vst v63  }
0x3a: {  	_ =	swait.ge [sflag:s2], $0x2000  }
0x3b: {  	[sflag:s2] =	ssyncset.done $0x0  }
0x3c: {  	[sflag:s2] =	ssyncadd.s32 $0xFFFFE000  }
0x3d: {  	_ =	swait.ge [sflag:s2], $0x2000  }
0x3e: {  	[sflag:s2] =	ssyncset.done $0x0  }
0x3f: {  	[sflag:s2] =	ssyncadd.s32 $0xFFFFE000  }
0x40: {  	_ =	swait.ge [sflag:s2], $0x80  }
0x41: {  	[sflag:s2] =	ssyncset.done $0x0  }
0x42: {  	[sflag:s2] =	ssyncadd.s32 $0xFFFFFF80  }
0x43: {  	_ =	swait.ge [sflag:s2], $0x80  }
0x44: {  	[sflag:s2] =	ssyncset.done $0x0  }
0x45: {  	[sflag:s2] =	ssyncadd.s32 $0xFFFFFF80  }
0x46: {  	_ =	swait.ge [sflag:s2], $0x2000  }
0x47: {  	[sflag:s2] =	ssyncset.done $0x0  }
0x48: {  	[sflag:s2] =	ssyncadd.s32 $0xFFFFE000  }
0x49: {  	_ =	swait.ge [sflag:s2], $0x2000  }
0x4a: {  	[sflag:s2] =	ssyncset.done $0x0  }
0x4b: {  	[sflag:s2] =	ssyncadd.s32 $0xFFFFE000  }
0x4c: {  	_ =	swait.ge [sflag:s2], $0x80  }
0x4d: {  	[sflag:s2] =	ssyncset.done $0x0  }
0x4e: {  	[sflag:s2] =	ssyncadd.s32 $0xFFFFFF80  }
0x4f: {  	_ =	swait.ge [sflag:s2], $0x80  }
0x50: {  	[sflag:s2] =	ssyncset.done $0x0  }
0x51: {  	[sflag:s2] =	ssyncadd.s32 $0xFFFFFF80  }
0x52: {  	_ =	swait.ge [sflag:s2], $0x2000  }
0x53: {  	[sflag:s2] =	ssyncset.done $0x0  }
0x54: {  	[sflag:s2] =	ssyncadd.s32 $0xFFFFE000  }
0x55: {  	_ =	swait.ge [sflag:s2], $0x2000  }
0x56: {  	[sflag:s2] =	ssyncset.done $0x0  }
0x57: {  	[sflag:s2] =	ssyncadd.s32 $0xFFFFE000  }
0x58: {  	_ =	swait.ge [sflag:s2], $0x80  }
0x59: {  	[sflag:s2] =	ssyncset.done $0x0  }
0x5a: {  	[sflag:s2] =	ssyncadd.s32 $0xFFFFFF80  }
0x5b: {  	_ =	swait.ge [sflag:s2], $0x80  }
0x5c: {  	[sflag:s2] =	ssyncset.done $0x0  }
0x5d: {  	[sflag:s2] =	ssyncadd.s32 $0xFFFFFF80  }
0x5e: {  	_ =	swait.ge [sflag:s2], $0x2000  }
0x5f: {  	[sflag:s2] =	ssyncset.done $0x0  }
0x60: {  	[sflag:s2] =	ssyncadd.s32 $0xFFFFE000  }
0x61: {  	_ =	swait.ge [sflag:s2], $0x2000  }
0x62: {  	[sflag:s2] =	ssyncset.done $0x0  }
0x63: {  	[sflag:s2] =	ssyncadd.s32 $0xFFFFE000  }
0x64: {  	_ =	swait.ge [sflag:s2], $0x80  }
0x65: {  	[sflag:s2] =	ssyncset.done $0x0  }
0x66: {  	[sflag:s2] =	ssyncadd.s32 $0xFFFFFF80  }
0x67: {  	_ =	swait.ge [sflag:s2], $0x80  }
0x68: {  	[sflag:s2] =	ssyncset.done $0x0  }
0x69: {  	s23 =	simm.s32 $0x18800;
	s24 =	simm.s32 $0x0;
	[sflag:s2] =	ssyncadd.s32 $0xFFFFFF80  }
.LBB2_2:
0x6a: {  	v2 =	vld [tilespmem:s19+$0x0]  }
0x6b: {  	v3 =	vld [tilespmem:s21+$0x0]  }
0x6c: {  	v1 =	vmov s24  }
0x6d: {  	v1 =	vshll.u32 v1, $0x6  }
0x6e: {  	v1 =	vor.u32 v0, v1;
	_ =	sdelay $0x1  }
0x6f: {  	v2 =	vsub.f32 v2, v3;
	_ =	sdelay $0x1  }
0x70: {  	[tilespmem:s23+$0x0] =	vst v2  }
0x71: {  	v2 =	vld.idx.msk [tilespmem:v1+s13+$0x0], $0xffff  }
0x72: {  	v3 =	vld.idx.msk [tilespmem:v1+s14+$0x0], $0xffff;
	_ =	sdelay $0x2  }
0x73: {  	v4 =	vor.u32 $0x1, v1;
	_ =	sdelay $0x1  }
0x74: {  	v2 =	vsub.f32 v2, v3;
	_ =	sdelay $0x1  }
0x75: {  	[tilespmem:v1+s15+$0x0] =	vst.idx.msk $0xffff, v2  }
0x76: {  	v2 =	vld.idx.msk [tilespmem:v4+s13+$0x0], $0xffff  }
0x77: {  	v3 =	vld.idx.msk [tilespmem:v4+s14+$0x0], $0xffff;
	_ =	sdelay $0x2  }
0x78: {  	v5 =	vor.u32 $0x2, v1;
	_ =	sdelay $0x1  }
0x79: {  	v2 =	vsub.f32 v2, v3;
	_ =	sdelay $0x1  }
0x7a: {  	[tilespmem:v4+s15+$0x0] =	vst.idx.msk $0xffff, v2  }
0x7b: {  	v2 =	vld.idx.msk [tilespmem:v5+s13+$0x0], $0xffff  }
0x7c: {  	v3 =	vld.idx.msk [tilespmem:v5+s14+$0x0], $0xffff;
	_ =	sdelay $0x2  }
0x7d: {  	v60 =	vor.u32 $0x3, v1;
	_ =	sdelay $0x1  }
0x7e: {  	v2 =	vsub.f32 v2, v3;
	_ =	sdelay $0x1  }
0x7f: {  	[tilespmem:v5+s15+$0x0] =	vst.idx.msk $0xffff, v2  }
0x80: {  	v2 =	vld.idx.msk [tilespmem:v60+s13+$0x0], $0xffff  }
0x81: {  	v3 =	vld.idx.msk [tilespmem:v60+s14+$0x0], $0xffff;
	_ =	sdelay $0x2  }
0x82: {  	v61 =	vor.u32 $0x4, v1;
	_ =	sdelay $0x1  }
0x83: {  	v2 =	vsub.f32 v2, v3;
	_ =	sdelay $0x1  }
0x84: {  	[tilespmem:v60+s15+$0x0] =	vst.idx.msk $0xffff, v2  }
0x85: {  	v2 =	vld.idx.msk [tilespmem:v61+s13+$0x0], $0xffff  }
0x86: {  	v3 =	vld.idx.msk [tilespmem:v61+s14+$0x0], $0xffff;
	_ =	sdelay $0x2  }
0x87: {  	v62 =	vor.u32 $0x5, v1;
	_ =	sdelay $0x1  }
0x88: {  	v2 =	vsub.f32 v2, v3;
	_ =	sdelay $0x1  }
0x89: {  	[tilespmem:v61+s15+$0x0] =	vst.idx.msk $0xffff, v2  }
0x8a: {  	v2 =	vld.idx.msk [tilespmem:v62+s13+$0x0], $0xffff  }
0x8b: {  	v3 =	vld.idx.msk [tilespmem:v62+s14+$0x0], $0xffff;
	_ =	sdelay $0x2  }
0x8c: {  	v63 =	vor.u32 $0x6, v1;
	_ =	sdelay $0x1  }
0x8d: {  	v2 =	vsub.f32 v2, v3;
	_ =	sdelay $0x1  }
0x8e: {  	[tilespmem:v62+s15+$0x0] =	vst.idx.msk $0xffff, v2  }
0x8f: {  	v2 =	vld.idx.msk [tilespmem:v63+s13+$0x0], $0xffff  }
0x90: {  	v3 =	vld.idx.msk [tilespmem:v63+s14+$0x0], $0xffff;
	_ =	sdelay $0x2  }
0x91: {  	v8 =	vor.u32 $0x7, v1;
	_ =	sdelay $0x1  }
0x92: {  	v2 =	vsub.f32 v2, v3;
	_ =	sdelay $0x1  }
0x93: {  	[tilespmem:v63+s15+$0x0] =	vst.idx.msk $0xffff, v2  }
0x94: {  	v2 =	vld.idx.msk [tilespmem:v8+s13+$0x0], $0xffff  }
0x95: {  	v3 =	vld.idx.msk [tilespmem:v8+s14+$0x0], $0xffff;
	_ =	sdelay $0x2  }
0x96: {  	v9 =	vor.u32 $0x8, v1;
	_ =	sdelay $0x1  }
0x97: {  	v2 =	vsub.f32 v2, v3;
	_ =	sdelay $0x1  }
0x98: {  	[tilespmem:v8+s15+$0x0] =	vst.idx.msk $0xffff, v2  }
0x99: {  	v2 =	vld.idx.msk [tilespmem:v9+s13+$0x0], $0xffff  }
0x9a: {  	v3 =	vld.idx.msk [tilespmem:v9+s14+$0x0], $0xffff;
	_ =	sdelay $0x2  }
0x9b: {  	v10 =	vor.u32 $0x9, v1;
	_ =	sdelay $0x1  }
0x9c: {  	v2 =	vsub.f32 v2, v3;
	_ =	sdelay $0x1  }
0x9d: {  	[tilespmem:v9+s15+$0x0] =	vst.idx.msk $0xffff, v2  }
0x9e: {  	v2 =	vld.idx.msk [tilespmem:v10+s13+$0x0], $0xffff  }
0x9f: {  	v3 =	vld.idx.msk [tilespmem:v10+s14+$0x0], $0xffff;
	_ =	sdelay $0x2  }
0xa0: {  	v11 =	vor.u32 $0xA, v1;
	_ =	sdelay $0x1  }
0xa1: {  	v2 =	vsub.f32 v2, v3;
	_ =	sdelay $0x1  }
0xa2: {  	[tilespmem:v10+s15+$0x0] =	vst.idx.msk $0xffff, v2  }
0xa3: {  	v2 =	vld.idx.msk [tilespmem:v11+s13+$0x0], $0xffff  }
0xa4: {  	v3 =	vld.idx.msk [tilespmem:v11+s14+$0x0], $0xffff;
	_ =	sdelay $0x2  }
0xa5: {  	v12 =	vor.u32 $0xB, v1;
	_ =	sdelay $0x1  }
0xa6: {  	v2 =	vsub.f32 v2, v3;
	_ =	sdelay $0x1  }
0xa7: {  	[tilespmem:v11+s15+$0x0] =	vst.idx.msk $0xffff, v2  }
0xa8: {  	v2 =	vld.idx.msk [tilespmem:v12+s13+$0x0], $0xffff  }
0xa9: {  	v3 =	vld.idx.msk [tilespmem:v12+s14+$0x0], $0xffff;
	_ =	sdelay $0x2  }
0xaa: {  	v13 =	vor.u32 $0xC, v1;
	_ =	sdelay $0x1  }
0xab: {  	v2 =	vsub.f32 v2, v3;
	_ =	sdelay $0x1  }
0xac: {  	[tilespmem:v12+s15+$0x0] =	vst.idx.msk $0xffff, v2  }
0xad: {  	v2 =	vld.idx.msk [tilespmem:v13+s13+$0x0], $0xffff  }
0xae: {  	v3 =	vld.idx.msk [tilespmem:v13+s14+$0x0], $0xffff;
	_ =	sdelay $0x2  }
0xaf: {  	v14 =	vor.u32 $0xD, v1;
	_ =	sdelay $0x1  }
0xb0: {  	v2 =	vsub.f32 v2, v3;
	_ =	sdelay $0x1  }
0xb1: {  	[tilespmem:v13+s15+$0x0] =	vst.idx.msk $0xffff, v2  }
0xb2: {  	v2 =	vld.idx.msk [tilespmem:v14+s13+$0x0], $0xffff  }
0xb3: {  	v3 =	vld.idx.msk [tilespmem:v14+s14+$0x0], $0xffff;
	_ =	sdelay $0x2  }
0xb4: {  	v15 =	vor.u32 $0xE, v1;
	_ =	sdelay $0x1  }
0xb5: {  	v2 =	vsub.f32 v2, v3;
	_ =	sdelay $0x1  }
0xb6: {  	[tilespmem:v14+s15+$0x0] =	vst.idx.msk $0xffff, v2  }
0xb7: {  	v2 =	vld.idx.msk [tilespmem:v15+s13+$0x0], $0xffff  }
0xb8: {  	v3 =	vld.idx.msk [tilespmem:v15+s14+$0x0], $0xffff;
	_ =	sdelay $0x2  }
0xb9: {  	v16 =	vor.u32 $0xF, v1;
	_ =	sdelay $0x1  }
0xba: {  	v2 =	vsub.f32 v2, v3;
	_ =	sdelay $0x1  }
0xbb: {  	[tilespmem:v15+s15+$0x0] =	vst.idx.msk $0xffff, v2  }
0xbc: {  	v2 =	vld.idx.msk [tilespmem:v16+s13+$0x0], $0xffff  }
0xbd: {  	v3 =	vld.idx.msk [tilespmem:v16+s14+$0x0], $0xffff;
	_ =	sdelay $0x2  }
0xbe: {  	v17 =	vor.u32 $0x10, v1;
	_ =	sdelay $0x1  }
0xbf: {  	v2 =	vsub.f32 v2, v3;
	_ =	sdelay $0x1  }
0xc0: {  	[tilespmem:v16+s15+$0x0] =	vst.idx.msk $0xffff, v2  }
0xc1: {  	v2 =	vld.idx.msk [tilespmem:v17+s13+$0x0], $0xffff  }
0xc2: {  	v3 =	vld.idx.msk [tilespmem:v17+s14+$0x0], $0xffff;
	_ =	sdelay $0x2  }
0xc3: {  	v18 =	vor.u32 $0x11, v1;
	_ =	sdelay $0x1  }
0xc4: {  	v2 =	vsub.f32 v2, v3;
	_ =	sdelay $0x1  }
0xc5: {  	[tilespmem:v17+s15+$0x0] =	vst.idx.msk $0xffff, v2  }
0xc6: {  	v2 =	vld.idx.msk [tilespmem:v18+s13+$0x0], $0xffff  }
0xc7: {  	v3 =	vld.idx.msk [tilespmem:v18+s14+$0x0], $0xffff;
	_ =	sdelay $0x2  }
0xc8: {  	v19 =	vor.u32 $0x12, v1;
	_ =	sdelay $0x1  }
0xc9: {  	v2 =	vsub.f32 v2, v3;
	_ =	sdelay $0x1  }
0xca: {  	[tilespmem:v18+s15+$0x0] =	vst.idx.msk $0xffff, v2  }
0xcb: {  	v2 =	vld.idx.msk [tilespmem:v19+s13+$0x0], $0xffff  }
0xcc: {  	v3 =	vld.idx.msk [tilespmem:v19+s14+$0x0], $0xffff;
	_ =	sdelay $0x2  }
0xcd: {  	v20 =	vor.u32 $0x13, v1;
	_ =	sdelay $0x1  }
0xce: {  	v2 =	vsub.f32 v2, v3;
	_ =	sdelay $0x1  }
0xcf: {  	[tilespmem:v19+s15+$0x0] =	vst.idx.msk $0xffff, v2  }
0xd0: {  	v2 =	vld.idx.msk [tilespmem:v20+s13+$0x0], $0xffff  }
0xd1: {  	v3 =	vld.idx.msk [tilespmem:v20+s14+$0x0], $0xffff;
	_ =	sdelay $0x2  }
0xd2: {  	v21 =	vor.u32 $0x14, v1;
	_ =	sdelay $0x1  }
0xd3: {  	v2 =	vsub.f32 v2, v3;
	_ =	sdelay $0x1  }
0xd4: {  	[tilespmem:v20+s15+$0x0] =	vst.idx.msk $0xffff, v2  }
0xd5: {  	v2 =	vld.idx.msk [tilespmem:v21+s13+$0x0], $0xffff  }
0xd6: {  	v3 =	vld.idx.msk [tilespmem:v21+s14+$0x0], $0xffff;
	_ =	sdelay $0x2  }
0xd7: {  	v22 =	vor.u32 $0x15, v1;
	_ =	sdelay $0x1  }
0xd8: {  	v2 =	vsub.f32 v2, v3;
	_ =	sdelay $0x1  }
0xd9: {  	[tilespmem:v21+s15+$0x0] =	vst.idx.msk $0xffff, v2  }
0xda: {  	v2 =	vld.idx.msk [tilespmem:v22+s13+$0x0], $0xffff  }
0xdb: {  	v3 =	vld.idx.msk [tilespmem:v22+s14+$0x0], $0xffff;
	_ =	sdelay $0x2  }
0xdc: {  	v23 =	vor.u32 $0x16, v1;
	_ =	sdelay $0x1  }
0xdd: {  	v2 =	vsub.f32 v2, v3;
	_ =	sdelay $0x1  }
0xde: {  	[tilespmem:v22+s15+$0x0] =	vst.idx.msk $0xffff, v2  }
0xdf: {  	v2 =	vld.idx.msk [tilespmem:v23+s13+$0x0], $0xffff  }
0xe0: {  	v3 =	vld.idx.msk [tilespmem:v23+s14+$0x0], $0xffff;
	_ =	sdelay $0x2  }
0xe1: {  	v24 =	vor.u32 $0x17, v1;
	_ =	sdelay $0x1  }
0xe2: {  	v2 =	vsub.f32 v2, v3;
	_ =	sdelay $0x1  }
0xe3: {  	[tilespmem:v23+s15+$0x0] =	vst.idx.msk $0xffff, v2  }
0xe4: {  	v2 =	vld.idx.msk [tilespmem:v24+s13+$0x0], $0xffff  }
0xe5: {  	v3 =	vld.idx.msk [tilespmem:v24+s14+$0x0], $0xffff;
	_ =	sdelay $0x2  }
0xe6: {  	v25 =	vor.u32 $0x18, v1;
	_ =	sdelay $0x1  }
0xe7: {  	v2 =	vsub.f32 v2, v3;
	_ =	sdelay $0x1  }
0xe8: {  	[tilespmem:v24+s15+$0x0] =	vst.idx.msk $0xffff, v2  }
0xe9: {  	v2 =	vld.idx.msk [tilespmem:v25+s13+$0x0], $0xffff  }
0xea: {  	v3 =	vld.idx.msk [tilespmem:v25+s14+$0x0], $0xffff;
	_ =	sdelay $0x2  }
0xeb: {  	v26 =	vor.u32 $0x19, v1;
	_ =	sdelay $0x1  }
0xec: {  	v2 =	vsub.f32 v2, v3;
	_ =	sdelay $0x1  }
0xed: {  	[tilespmem:v25+s15+$0x0] =	vst.idx.msk $0xffff, v2  }
0xee: {  	v2 =	vld.idx.msk [tilespmem:v26+s13+$0x0], $0xffff  }
0xef: {  	v3 =	vld.idx.msk [tilespmem:v26+s14+$0x0], $0xffff;
	_ =	sdelay $0x2  }
0xf0: {  	v27 =	vor.u32 $0x1A, v1;
	_ =	sdelay $0x1  }
0xf1: {  	v2 =	vsub.f32 v2, v3;
	_ =	sdelay $0x1  }
0xf2: {  	[tilespmem:v26+s15+$0x0] =	vst.idx.msk $0xffff, v2  }
0xf3: {  	v2 =	vld.idx.msk [tilespmem:v27+s13+$0x0], $0xffff  }
0xf4: {  	v3 =	vld.idx.msk [tilespmem:v27+s14+$0x0], $0xffff;
	_ =	sdelay $0x2  }
0xf5: {  	v28 =	vor.u32 $0x1B, v1;
	_ =	sdelay $0x1  }
0xf6: {  	v2 =	vsub.f32 v2, v3;
	_ =	sdelay $0x1  }
0xf7: {  	[tilespmem:v27+s15+$0x0] =	vst.idx.msk $0xffff, v2  }
0xf8: {  	v2 =	vld.idx.msk [tilespmem:v28+s13+$0x0], $0xffff  }
0xf9: {  	v3 =	vld.idx.msk [tilespmem:v28+s14+$0x0], $0xffff;
	_ =	sdelay $0x2  }
0xfa: {  	v29 =	vor.u32 $0x1C, v1;
	_ =	sdelay $0x1  }
0xfb: {  	v2 =	vsub.f32 v2, v3;
	_ =	sdelay $0x1  }
0xfc: {  	[tilespmem:v28+s15+$0x0] =	vst.idx.msk $0xffff, v2  }
0xfd: {  	v2 =	vld.idx.msk [tilespmem:v29+s13+$0x0], $0xffff  }
0xfe: {  	v3 =	vld.idx.msk [tilespmem:v29+s14+$0x0], $0xffff;
	_ =	sdelay $0x2  }
0xff: {  	v30 =	vor.u32 $0x1D, v1;
	_ =	sdelay $0x1  }
0x100: {  	v2 =	vsub.f32 v2, v3;
	_ =	sdelay $0x1  }
0x101: {  	[tilespmem:v29+s15+$0x0] =	vst.idx.msk $0xffff, v2  }
0x102: {  	v2 =	vld.idx.msk [tilespmem:v30+s13+$0x0], $0xffff  }
0x103: {  	v3 =	vld.idx.msk [tilespmem:v30+s14+$0x0], $0xffff;
	_ =	sdelay $0x2  }
0x104: {  	v31 =	vor.u32 $0x1E, v1;
	_ =	sdelay $0x1  }
0x105: {  	v2 =	vsub.f32 v2, v3;
	_ =	sdelay $0x1  }
0x106: {  	[tilespmem:v30+s15+$0x0] =	vst.idx.msk $0xffff, v2  }
0x107: {  	v2 =	vld.idx.msk [tilespmem:v31+s13+$0x0], $0xffff  }
0x108: {  	v3 =	vld.idx.msk [tilespmem:v31+s14+$0x0], $0xffff;
	_ =	sdelay $0x2  }
0x109: {  	v32 =	vor.u32 $0x1F, v1;
	_ =	sdelay $0x1  }
0x10a: {  	v2 =	vsub.f32 v2, v3;
	_ =	sdelay $0x1  }
0x10b: {  	[tilespmem:v31+s15+$0x0] =	vst.idx.msk $0xffff, v2  }
0x10c: {  	v2 =	vld.idx.msk [tilespmem:v32+s13+$0x0], $0xffff  }
0x10d: {  	v3 =	vld.idx.msk [tilespmem:v32+s14+$0x0], $0xffff;
	_ =	sdelay $0x2  }
0x10e: {  	v33 =	vor.u32 $0x20, v1;
	_ =	sdelay $0x1  }
0x10f: {  	v2 =	vsub.f32 v2, v3;
	_ =	sdelay $0x1  }
0x110: {  	[tilespmem:v32+s15+$0x0] =	vst.idx.msk $0xffff, v2  }
0x111: {  	v2 =	vld.idx.msk [tilespmem:v33+s13+$0x0], $0xffff  }
0x112: {  	v3 =	vld.idx.msk [tilespmem:v33+s14+$0x0], $0xffff;
	_ =	sdelay $0x2  }
0x113: {  	v34 =	vor.u32 $0x21, v1;
	_ =	sdelay $0x1  }
0x114: {  	v2 =	vsub.f32 v2, v3;
	_ =	sdelay $0x1  }
0x115: {  	[tilespmem:v33+s15+$0x0] =	vst.idx.msk $0xffff, v2  }
0x116: {  	v2 =	vld.idx.msk [tilespmem:v34+s13+$0x0], $0xffff  }
0x117: {  	v3 =	vld.idx.msk [tilespmem:v34+s14+$0x0], $0xffff;
	_ =	sdelay $0x2  }
0x118: {  	v35 =	vor.u32 $0x22, v1;
	_ =	sdelay $0x1  }
0x119: {  	v2 =	vsub.f32 v2, v3;
	_ =	sdelay $0x1  }
0x11a: {  	[tilespmem:v34+s15+$0x0] =	vst.idx.msk $0xffff, v2  }
0x11b: {  	v2 =	vld.idx.msk [tilespmem:v35+s13+$0x0], $0xffff  }
0x11c: {  	v3 =	vld.idx.msk [tilespmem:v35+s14+$0x0], $0xffff;
	_ =	sdelay $0x2  }
0x11d: {  	v36 =	vor.u32 $0x23, v1;
	_ =	sdelay $0x1  }
0x11e: {  	v2 =	vsub.f32 v2, v3;
	_ =	sdelay $0x1  }
0x11f: {  	[tilespmem:v35+s15+$0x0] =	vst.idx.msk $0xffff, v2  }
0x120: {  	v2 =	vld.idx.msk [tilespmem:v36+s13+$0x0], $0xffff  }
0x121: {  	v3 =	vld.idx.msk [tilespmem:v36+s14+$0x0], $0xffff;
	_ =	sdelay $0x2  }
0x122: {  	v37 =	vor.u32 $0x24, v1;
	_ =	sdelay $0x1  }
0x123: {  	v2 =	vsub.f32 v2, v3;
	_ =	sdelay $0x1  }
0x124: {  	[tilespmem:v36+s15+$0x0] =	vst.idx.msk $0xffff, v2  }
0x125: {  	v2 =	vld.idx.msk [tilespmem:v37+s13+$0x0], $0xffff  }
0x126: {  	v3 =	vld.idx.msk [tilespmem:v37+s14+$0x0], $0xffff;
	_ =	sdelay $0x2  }
0x127: {  	v38 =	vor.u32 $0x25, v1;
	_ =	sdelay $0x1  }
0x128: {  	v2 =	vsub.f32 v2, v3;
	_ =	sdelay $0x1  }
0x129: {  	[tilespmem:v37+s15+$0x0] =	vst.idx.msk $0xffff, v2  }
0x12a: {  	v2 =	vld.idx.msk [tilespmem:v38+s13+$0x0], $0xffff  }
0x12b: {  	v3 =	vld.idx.msk [tilespmem:v38+s14+$0x0], $0xffff;
	_ =	sdelay $0x2  }
0x12c: {  	v39 =	vor.u32 $0x26, v1;
	_ =	sdelay $0x1  }
0x12d: {  	v2 =	vsub.f32 v2, v3;
	_ =	sdelay $0x1  }
0x12e: {  	[tilespmem:v38+s15+$0x0] =	vst.idx.msk $0xffff, v2  }
0x12f: {  	v2 =	vld.idx.msk [tilespmem:v39+s13+$0x0], $0xffff  }
0x130: {  	v3 =	vld.idx.msk [tilespmem:v39+s14+$0x0], $0xffff;
	_ =	sdelay $0x2  }
0x131: {  	v40 =	vor.u32 $0x27, v1;
	_ =	sdelay $0x1  }
0x132: {  	v2 =	vsub.f32 v2, v3;
	_ =	sdelay $0x1  }
0x133: {  	[tilespmem:v39+s15+$0x0] =	vst.idx.msk $0xffff, v2  }
0x134: {  	v2 =	vld.idx.msk [tilespmem:v40+s13+$0x0], $0xffff  }
0x135: {  	v3 =	vld.idx.msk [tilespmem:v40+s14+$0x0], $0xffff;
	_ =	sdelay $0x2  }
0x136: {  	v41 =	vor.u32 $0x28, v1;
	_ =	sdelay $0x1  }
0x137: {  	v2 =	vsub.f32 v2, v3;
	_ =	sdelay $0x1  }
0x138: {  	[tilespmem:v40+s15+$0x0] =	vst.idx.msk $0xffff, v2  }
0x139: {  	v2 =	vld.idx.msk [tilespmem:v41+s13+$0x0], $0xffff  }
0x13a: {  	v3 =	vld.idx.msk [tilespmem:v41+s14+$0x0], $0xffff;
	_ =	sdelay $0x2  }
0x13b: {  	v42 =	vor.u32 $0x29, v1;
	_ =	sdelay $0x1  }
0x13c: {  	v2 =	vsub.f32 v2, v3;
	_ =	sdelay $0x1  }
0x13d: {  	[tilespmem:v41+s15+$0x0] =	vst.idx.msk $0xffff, v2  }
0x13e: {  	v2 =	vld.idx.msk [tilespmem:v42+s13+$0x0], $0xffff  }
0x13f: {  	v3 =	vld.idx.msk [tilespmem:v42+s14+$0x0], $0xffff;
	_ =	sdelay $0x2  }
0x140: {  	v43 =	vor.u32 $0x2A, v1;
	_ =	sdelay $0x1  }
0x141: {  	v2 =	vsub.f32 v2, v3;
	_ =	sdelay $0x1  }
0x142: {  	[tilespmem:v42+s15+$0x0] =	vst.idx.msk $0xffff, v2  }
0x143: {  	v2 =	vld.idx.msk [tilespmem:v43+s13+$0x0], $0xffff  }
0x144: {  	v3 =	vld.idx.msk [tilespmem:v43+s14+$0x0], $0xffff;
	_ =	sdelay $0x2  }
0x145: {  	v44 =	vor.u32 $0x2B, v1;
	_ =	sdelay $0x1  }
0x146: {  	v2 =	vsub.f32 v2, v3;
	_ =	sdelay $0x1  }
0x147: {  	[tilespmem:v43+s15+$0x0] =	vst.idx.msk $0xffff, v2  }
0x148: {  	v2 =	vld.idx.msk [tilespmem:v44+s13+$0x0], $0xffff  }
0x149: {  	v3 =	vld.idx.msk [tilespmem:v44+s14+$0x0], $0xffff;
	_ =	sdelay $0x2  }
0x14a: {  	v45 =	vor.u32 $0x2C, v1;
	_ =	sdelay $0x1  }
0x14b: {  	v2 =	vsub.f32 v2, v3;
	_ =	sdelay $0x1  }
0x14c: {  	[tilespmem:v44+s15+$0x0] =	vst.idx.msk $0xffff, v2  }
0x14d: {  	v2 =	vld.idx.msk [tilespmem:v45+s13+$0x0], $0xffff  }
0x14e: {  	v3 =	vld.idx.msk [tilespmem:v45+s14+$0x0], $0xffff;
	_ =	sdelay $0x2  }
0x14f: {  	v46 =	vor.u32 $0x2D, v1;
	_ =	sdelay $0x1  }
0x150: {  	v2 =	vsub.f32 v2, v3;
	_ =	sdelay $0x1  }
0x151: {  	[tilespmem:v45+s15+$0x0] =	vst.idx.msk $0xffff, v2  }
0x152: {  	v2 =	vld.idx.msk [tilespmem:v46+s13+$0x0], $0xffff  }
0x153: {  	v3 =	vld.idx.msk [tilespmem:v46+s14+$0x0], $0xffff;
	_ =	sdelay $0x2  }
0x154: {  	v47 =	vor.u32 $0x2E, v1;
	_ =	sdelay $0x1  }
0x155: {  	v2 =	vsub.f32 v2, v3;
	_ =	sdelay $0x1  }
0x156: {  	[tilespmem:v46+s15+$0x0] =	vst.idx.msk $0xffff, v2  }
0x157: {  	v2 =	vld.idx.msk [tilespmem:v47+s13+$0x0], $0xffff  }
0x158: {  	v3 =	vld.idx.msk [tilespmem:v47+s14+$0x0], $0xffff;
	_ =	sdelay $0x2  }
0x159: {  	v48 =	vor.u32 $0x2F, v1;
	_ =	sdelay $0x1  }
0x15a: {  	v2 =	vsub.f32 v2, v3;
	_ =	sdelay $0x1  }
0x15b: {  	[tilespmem:v47+s15+$0x0] =	vst.idx.msk $0xffff, v2  }
0x15c: {  	v2 =	vld.idx.msk [tilespmem:v48+s13+$0x0], $0xffff  }
0x15d: {  	v3 =	vld.idx.msk [tilespmem:v48+s14+$0x0], $0xffff;
	_ =	sdelay $0x2  }
0x15e: {  	v49 =	vor.u32 $0x30, v1;
	_ =	sdelay $0x1  }
0x15f: {  	v2 =	vsub.f32 v2, v3;
	_ =	sdelay $0x1  }
0x160: {  	[tilespmem:v48+s15+$0x0] =	vst.idx.msk $0xffff, v2  }
0x161: {  	v2 =	vld.idx.msk [tilespmem:v49+s13+$0x0], $0xffff  }
0x162: {  	v3 =	vld.idx.msk [tilespmem:v49+s14+$0x0], $0xffff;
	_ =	sdelay $0x2  }
0x163: {  	v50 =	vor.u32 $0x31, v1;
	_ =	sdelay $0x1  }
0x164: {  	v2 =	vsub.f32 v2, v3;
	_ =	sdelay $0x1  }
0x165: {  	[tilespmem:v49+s15+$0x0] =	vst.idx.msk $0xffff, v2  }
0x166: {  	v2 =	vld.idx.msk [tilespmem:v50+s13+$0x0], $0xffff  }
0x167: {  	v3 =	vld.idx.msk [tilespmem:v50+s14+$0x0], $0xffff;
	_ =	sdelay $0x2  }
0x168: {  	v51 =	vor.u32 $0x32, v1;
	_ =	sdelay $0x1  }
0x169: {  	v2 =	vsub.f32 v2, v3;
	_ =	sdelay $0x1  }
0x16a: {  	[tilespmem:v50+s15+$0x0] =	vst.idx.msk $0xffff, v2  }
0x16b: {  	v2 =	vld.idx.msk [tilespmem:v51+s13+$0x0], $0xffff  }
0x16c: {  	v3 =	vld.idx.msk [tilespmem:v51+s14+$0x0], $0xffff;
	_ =	sdelay $0x2  }
0x16d: {  	v52 =	vor.u32 $0x33, v1;
	_ =	sdelay $0x1  }
0x16e: {  	v2 =	vsub.f32 v2, v3;
	_ =	sdelay $0x1  }
0x16f: {  	[tilespmem:v51+s15+$0x0] =	vst.idx.msk $0xffff, v2  }
0x170: {  	v2 =	vld.idx.msk [tilespmem:v52+s13+$0x0], $0xffff  }
0x171: {  	v3 =	vld.idx.msk [tilespmem:v52+s14+$0x0], $0xffff;
	_ =	sdelay $0x2  }
0x172: {  	v53 =	vor.u32 $0x34, v1;
	_ =	sdelay $0x1  }
0x173: {  	v2 =	vsub.f32 v2, v3;
	_ =	sdelay $0x1  }
0x174: {  	[tilespmem:v52+s15+$0x0] =	vst.idx.msk $0xffff, v2  }
0x175: {  	v2 =	vld.idx.msk [tilespmem:v53+s13+$0x0], $0xffff  }
0x176: {  	v3 =	vld.idx.msk [tilespmem:v53+s14+$0x0], $0xffff;
	_ =	sdelay $0x2  }
0x177: {  	v54 =	vor.u32 $0x35, v1;
	_ =	sdelay $0x1  }
0x178: {  	v2 =	vsub.f32 v2, v3;
	_ =	sdelay $0x1  }
0x179: {  	[tilespmem:v53+s15+$0x0] =	vst.idx.msk $0xffff, v2  }
0x17a: {  	v2 =	vld.idx.msk [tilespmem:v54+s13+$0x0], $0xffff  }
0x17b: {  	v3 =	vld.idx.msk [tilespmem:v54+s14+$0x0], $0xffff;
	_ =	sdelay $0x2  }
0x17c: {  	v55 =	vor.u32 $0x36, v1;
	_ =	sdelay $0x1  }
0x17d: {  	v2 =	vsub.f32 v2, v3;
	_ =	sdelay $0x1  }
0x17e: {  	[tilespmem:v54+s15+$0x0] =	vst.idx.msk $0xffff, v2  }
0x17f: {  	v2 =	vld.idx.msk [tilespmem:v55+s13+$0x0], $0xffff  }
0x180: {  	v3 =	vld.idx.msk [tilespmem:v55+s14+$0x0], $0xffff;
	_ =	sdelay $0x2  }
0x181: {  	v56 =	vor.u32 $0x37, v1;
	_ =	sdelay $0x1  }
0x182: {  	v2 =	vsub.f32 v2, v3;
	_ =	sdelay $0x1  }
0x183: {  	[tilespmem:v55+s15+$0x0] =	vst.idx.msk $0xffff, v2  }
0x184: {  	v2 =	vld.idx.msk [tilespmem:v56+s13+$0x0], $0xffff  }
0x185: {  	v3 =	vld.idx.msk [tilespmem:v56+s14+$0x0], $0xffff;
	_ =	sdelay $0x2  }
0x186: {  	v57 =	vor.u32 $0x38, v1;
	_ =	sdelay $0x1  }
0x187: {  	v2 =	vsub.f32 v2, v3;
	_ =	sdelay $0x1  }
0x188: {  	[tilespmem:v56+s15+$0x0] =	vst.idx.msk $0xffff, v2  }
0x189: {  	v2 =	vld.idx.msk [tilespmem:v57+s13+$0x0], $0xffff  }
0x18a: {  	v3 =	vld.idx.msk [tilespmem:v57+s14+$0x0], $0xffff;
	_ =	sdelay $0x2  }
0x18b: {  	v58 =	vor.u32 $0x39, v1;
	_ =	sdelay $0x1  }
0x18c: {  	v2 =	vsub.f32 v2, v3;
	_ =	sdelay $0x1  }
0x18d: {  	[tilespmem:v57+s15+$0x0] =	vst.idx.msk $0xffff, v2  }
0x18e: {  	v2 =	vld.idx.msk [tilespmem:v58+s13+$0x0], $0xffff  }
0x18f: {  	v3 =	vld.idx.msk [tilespmem:v58+s14+$0x0], $0xffff;
	_ =	sdelay $0x2  }
0x190: {  	v59 =	vor.u32 $0x3A, v1;
	_ =	sdelay $0x1  }
0x191: {  	v2 =	vsub.f32 v2, v3;
	_ =	sdelay $0x1  }
0x192: {  	[tilespmem:v58+s15+$0x0] =	vst.idx.msk $0xffff, v2  }
0x193: {  	v2 =	vld.idx.msk [tilespmem:v59+s13+$0x0], $0xffff  }
0x194: {  	v3 =	vld.idx.msk [tilespmem:v59+s14+$0x0], $0xffff;
	_ =	sdelay $0x2  }
0x195: {  	v60 =	vor.u32 $0x3B, v1;
	_ =	sdelay $0x1  }
0x196: {  	v2 =	vsub.f32 v2, v3;
	_ =	sdelay $0x1  }
0x197: {  	[tilespmem:v59+s15+$0x0] =	vst.idx.msk $0xffff, v2  }
0x198: {  	v2 =	vld.idx.msk [tilespmem:v60+s13+$0x0], $0xffff  }
0x199: {  	v3 =	vld.idx.msk [tilespmem:v60+s14+$0x0], $0xffff;
	_ =	sdelay $0x2  }
0x19a: {  	v61 =	vor.u32 $0x3C, v1;
	_ =	sdelay $0x1  }
0x19b: {  	v2 =	vsub.f32 v2, v3;
	_ =	sdelay $0x1  }
0x19c: {  	[tilespmem:v60+s15+$0x0] =	vst.idx.msk $0xffff, v2  }
0x19d: {  	v2 =	vld.idx.msk [tilespmem:v61+s13+$0x0], $0xffff  }
0x19e: {  	v3 =	vld.idx.msk [tilespmem:v61+s14+$0x0], $0xffff;
	_ =	sdelay $0x2  }
0x19f: {  	v62 =	vor.u32 $0x3D, v1;
	_ =	sdelay $0x1  }
0x1a0: {  	v2 =	vsub.f32 v2, v3;
	_ =	sdelay $0x1  }
0x1a1: {  	[tilespmem:v61+s15+$0x0] =	vst.idx.msk $0xffff, v2  }
0x1a2: {  	v2 =	vld.idx.msk [tilespmem:v62+s13+$0x0], $0xffff  }
0x1a3: {  	v3 =	vld.idx.msk [tilespmem:v62+s14+$0x0], $0xffff;
	_ =	sdelay $0x2  }
0x1a4: {  	v63 =	vor.u32 $0x3E, v1;
	_ =	sdelay $0x1  }
0x1a5: {  	v2 =	vsub.f32 v2, v3;
	_ =	sdelay $0x1  }
0x1a6: {  	[tilespmem:v62+s15+$0x0] =	vst.idx.msk $0xffff, v2  }
0x1a7: {  	v2 =	vld.idx.msk [tilespmem:v63+s13+$0x0], $0xffff  }
0x1a8: {  	v3 =	vld.idx.msk [tilespmem:v63+s14+$0x0], $0xffff;
	_ =	sdelay $0x2  }
0x1a9: {  	v1 =	vor.u32 $0x3F, v1;
	_ =	sdelay $0x1  }
0x1aa: {  	v2 =	vsub.f32 v2, v3;
	_ =	sdelay $0x1  }
0x1ab: {  	[tilespmem:v63+s15+$0x0] =	vst.idx.msk $0xffff, v2  }
0x1ac: {  	v2 =	vld.idx.msk [tilespmem:v1+s13+$0x0], $0xffff  }
0x1ad: {  	v3 =	vld.idx.msk [tilespmem:v1+s14+$0x0], $0xffff;
	_ =	sdelay $0x1  }
0x1ae: {  	p0 =	sne.s32 s24, $0x1F0  }
.Ltmp0:
0x1af: {  	_ = 	snop;
	(pc) =	sbr.rel @p0 .LBB2_2-.Ltmp0, $4  }
0x1b0: {  	_ = 	snop  }
0x1b1: {  	v2 =	vsub.f32 v2, v3  }
0x1b2: {  	s19 =	sadd.s32 $0x10, s19  }
0x1b3: {  	s21 =	sadd.s32 $0x10, s21;
	s24 =	sadd.s32 $0x10, s24;
	s23 =	sadd.s32 $0x10, s23;
	[tilespmem:v1+s15+$0x0] =	vst.idx.msk $0xffff, v2  }
0x1b4: {  	[hbm4b:s7+s3] =	stream.linear.scatter [tilespmem:s15], [sflag:$0x2], $0x8000, $0x38;
	[tilespmem:$0x18A00] =	vst v63  }
0x1b5: {  	s18 =	sadd.s32 $0x1, s18;
	_ =	swait.ge [sflag:s10], $0x8000  }
0x1b6: {  	p0 =	sne.s32 s18, s9;
	[sflag:s10] =	ssyncset.done $0x0  }
.Ltmp1:
0x1b7: {  	[sflag:s10] =	ssyncadd.s32 $0xFFFF8000;
	(pc) =	sbr.rel @p0 .LBB2_1-.Ltmp1, $4  }
0x1b8: {  	[hbm4b:s8+s3] =	stream.linear.scatter [tilespmem:s17], [sflag:$0x2], $0x200, $0x38;
	[tilespmem:$0x18A00] =	vst v63  }
0x1b9: {  	_ =	swait.ge [sflag:s10], $0x200  }
0x1ba: {  	[sflag:s10] =	ssyncset.done $0x0  }
0x1bb: {  	[sflag:s10] =	ssyncadd.s32 $0xFFFFFE00  }
0x1bc: {  	_ =	sfence.sel $0x180000  }
0x1bd: {  	[bflag:$0x0] =	sbarrier.arrive $0xFFFF  }
0x1be: {  	_ =	strace $0x90000047  }
0x1bf: {  	s0 =	stileid.u32;
	[bflag:$0x2] =	sbarrier.arrive $0xFFFF  }
0x1c0: {  	p0 =	sne.s32 s0, $0x0;
	s0 =	rddreg [dreg:$0x6]  }
0x1c1: {  	s0 =	sadd.s32 @!p0 $0x100000, s0  }
0x1c2: {  	[sflag:s0] =	ssyncadd.tile.s32 @!p0 $0x1;
	_ =	shalt  }
.Lfunc_end2:
_tile_overlayer_lowered:
.L_overlay_start_2:
0x1c3: {  	(tag) =	ssettag $0x2  }
0x1c4: {  	s0 =	rddreg [dreg:$0x0];
	s2 =	stileid.u32  }
0x1c5: {  	s1 =	rddreg [dreg:$0x1];
	p0 =	sne.s32 s2, $0x0  }
0x1c6: {  	s3 =	rddreg [dreg:$0x2];
	[bflag:$0x3] =	sbarrier.arrive $0xFFFF;
	s2 =	simm.s32 @!p0 $0x1C02  }
0x1c7: {  	[timem:s3], [sflag:s2] =	dma.local @!p0 [hbm:s0], s1  }
0x1c8: {  	s0 =	simm.s32 @!p0 $0x2  }
0x1c9: {  	_ =	swait.ge @!p0 [sflag:s0], s1  }
0x1ca: {  	s1 =	ssub.s32 @!p0 $0x0, s1;
	[sflag:s0] =	ssyncset.done @!p0 $0x0  }
0x1cb: {  	[sflag:s0] =	ssyncadd.s32 @!p0 s1  }
0x1cc: {  	[bflag:$0x3] =	sbarrier.arrive $0xFFFF  }
0x1cd: {  	_ =	shalt  }

</sc_bundles>
